<compile_context>
chip_gen: v7x
topology: tpu7x:2x2x1
jax: 0.10.2.dev20260603
libtpu: 0.0.44.dev20260713+nightly
codegen_flags: <defaults>
</compile_context>

<pallas_src>
import functools

import jax
import jax.numpy as jnp
from jax import lax
from jax.experimental import pallas as pl
from jax.experimental.pallas import tpu as pltpu
from jax.experimental.pallas import tpu_sc as plsc

B = 16384
D = 128
NC = 2
NS = 16
NW = NC * NS
B_PER_W = B // NW
CH = 8
RPC = B_PER_W // CH


def _build():
    mesh = plsc.VectorSubcoreMesh(core_axis_name="c", subcore_axis_name="s")

    @functools.partial(
        pl.kernel,
        mesh=mesh,
        out_type=jax.ShapeDtypeStruct((B, D), jnp.float32),
        scratch_types=[
            pltpu.VMEM((CH, RPC), jnp.int32),
            pltpu.VMEM_SHARED((4, D), jnp.float32),
            pltpu.VMEM((CH, RPC, D), jnp.float32),
            pltpu.SemaphoreType.DMA,
            pltpu.SemaphoreType.DMA,
            pltpu.SemaphoreType.DMA,
        ],
    )
    def gather_kernel(idx_hbm, table_hbm, out_hbm, idx_v, tbl_sh, rows_v,
                      ssem, gsem, osem):
        sid = lax.axis_index("s")
        wid = sid * NC + lax.axis_index("c")
        base = wid * B_PER_W
        ic = pltpu.async_copy(idx_hbm.at[pl.ds(wid * CH, CH)], idx_v, ssem)

        @pl.when(sid == 0)
        def _():
            pltpu.sync_copy(table_hbm, tbl_sh)

        ic.wait()
        plsc.subcore_barrier()
        tbl = tbl_sh

        gs = [
            pltpu.async_copy(tbl.at[idx_v.at[c]], rows_v.at[c], gsem)
            for c in range(CH)
        ]
        outs = []
        for c in range(CH):
            gs[c].wait()
            outs.append(pltpu.async_copy(
                rows_v.at[c],
                out_hbm.at[pl.ds(base + c * RPC, RPC)], osem))
        for o in outs:
            o.wait()

    return gather_kernel


_GATHER = None


def kernel(emotion_label, table):
    global _GATHER
    if _GATHER is None:
        _GATHER = _build()
    idx = emotion_label.astype(jnp.int32).reshape(NW * CH, RPC)
    return _GATHER(idx, table)

# --- scband reference (transcript-rebuilt; emitter-appended) ---
"""Pipeline reference for scband-emotion-model-20839181320863 (READ-ONLY COPY).

The authoritative reference and input builder live on the scoring server;
editing this copy changes nothing except your own understanding.
"""

import jax, jax.numpy as jnp
import numpy as np

def setup_inputs(seed: int = 0) -> dict:
    key = jax.random.key(seed)
    k1, k2 = jax.random.split(key)
    emotion_label = jax.random.randint(k1, (16384,), 0, 4, dtype=jnp.int64)
    # embedding table: num_embeddings=4, embedding_dim=128
    table = jax.random.normal(k2, (4, 128), dtype=jnp.float32)
    return {"emotion_label": emotion_label, "table": table}

def reference(emotion_label, table):
    # nn.Embedding lookup -> gather rows from the table
    return jnp.take(table, emotion_label, axis=0)

if __name__ == "__main__":
    import jax
    _d = setup_inputs()
    print(jax.jit(kernel)(*tuple(_d.values())))

</pallas_src>

<mosaic_0001>
#map = affine_map<(d0, d1) -> (0, 0)>
module attributes {stable_mosaic.version = 14 : i64} {
  func.func @gather_kernel(%arg0: i32, %arg1: i32, %arg2: memref<256x64xi32, #tpu.memory_space<hbm>>, %arg3: memref<4x128xf32, #tpu.memory_space<hbm>>, %arg4: memref<16384x128xf32, #tpu.memory_space<hbm>>, %arg5: memref<8x64xi32, #tpu.memory_space<vmem>>, %arg6: memref<4x128xf32, #tpu.memory_space<vmem_shared>>, %arg7: memref<8x64x128xf32, #tpu.memory_space<vmem>>, %arg8: memref<!tpu.dma_semaphore, #tpu.memory_space<semaphore_mem>>, %arg9: memref<!tpu.dma_semaphore, #tpu.memory_space<semaphore_mem>>, %arg10: memref<!tpu.dma_semaphore, #tpu.memory_space<semaphore_mem>>) attributes {dimension_semantics = [#tpu.dimension_semantics<core_parallel>, #tpu.dimension_semantics<subcore_parallel>], iteration_bounds = array<i64: 2, 16>, scalar_prefetch = 0 : i64, scratch_operands = 6 : i64, tpu.core_type = #tpu.core_type<sc_vector_subcore>, window_params = [{transform_indices = #map}, {transform_indices = #map}, {transform_indices = #map}]} {
    %mul3A = arith.constant 2 : i32
    %mul3A_0 = arith.muli %arg1, %mul3A : i32
    %add3A = arith.addi %mul3A_0, %arg0 : i32
    %mul3A_1 = arith.constant 512 : i32
    %mul3A_2 = arith.muli %add3A, %mul3A_1 : i32
    %mul3A_3 = arith.constant 8 : i32
    %mul3A_4 = arith.muli %add3A, %mul3A_3 : i32
    %dma_start3A = arith.constant 0 : i32
    %dma_start3A_5 = tpu.memref_slice %arg2[%mul3A_4, %dma_start3A] : memref<256x64xi32, #tpu.memory_space<hbm>> -> memref<8x64xi32, #tpu.memory_space<hbm>>
    %dma_start3A_6 = arith.constant 0 : i32
    %dma_start3A_7 = tpu.memref_slice %arg2[%mul3A_4, %dma_start3A_6] : memref<256x64xi32, #tpu.memory_space<hbm>> -> memref<8x64xi32, #tpu.memory_space<hbm>>
    tpu.enqueue_dma source(%dma_start3A_7 : memref<8x64xi32, #tpu.memory_space<hbm>>) target(%arg5 : memref<8x64xi32, #tpu.memory_space<vmem>>) target_semaphore(%arg8 : memref<!tpu.dma_semaphore, #tpu.memory_space<semaphore_mem>>)
    %eq3A = arith.constant 0 : i32
    %eq3A_8 = arith.cmpi eq, %arg1, %eq3A : i32
    %convert_element_type3A = arith.extui %eq3A_8 : i1 to i32
    %cond3A = arith.constant 0 : i32
    %cond3A_9 = arith.cmpi ne, %convert_element_type3A, %cond3A : i32
    scf.if %cond3A_9 {
      "tpu.region"() ({
        %run_scoped3A = tpu.sem_alloc : memref<!tpu.dma_semaphore, #tpu.memory_space<semaphore_mem>>
        tpu.enqueue_dma source(%arg3 : memref<4x128xf32, #tpu.memory_space<hbm>>) target(%arg6 : memref<4x128xf32, #tpu.memory_space<vmem_shared>>) target_semaphore(%run_scoped3A : memref<!tpu.dma_semaphore, #tpu.memory_space<semaphore_mem>>)
        tpu.wait_dma2 semaphore(%run_scoped3A : memref<!tpu.dma_semaphore, #tpu.memory_space<semaphore_mem>>) src(%arg3 : memref<4x128xf32, #tpu.memory_space<hbm>>) dst(%arg6 : memref<4x128xf32, #tpu.memory_space<vmem_shared>>)
        tpu.yield
      }) : () -> ()
    } else {
    }
    %dma_wait3A = arith.constant 0 : i32
    %dma_wait3A_10 = tpu.memref_slice %arg2[%mul3A_4, %dma_wait3A] : memref<256x64xi32, #tpu.memory_space<hbm>> -> memref<8x64xi32, #tpu.memory_space<hbm>>
    %dma_wait3A_11 = arith.constant 0 : i32
    %dma_wait3A_12 = tpu.memref_slice %arg2[%mul3A_4, %dma_wait3A_11] : memref<256x64xi32, #tpu.memory_space<hbm>> -> memref<8x64xi32, #tpu.memory_space<hbm>>
    tpu.wait_dma2 semaphore(%arg8 : memref<!tpu.dma_semaphore, #tpu.memory_space<semaphore_mem>>) src(%dma_wait3A_12 : memref<8x64xi32, #tpu.memory_space<hbm>>) dst(%arg5 : memref<8x64xi32, #tpu.memory_space<vmem>>)
    %barrier3A = arith.constant 0 : index
    tpu.barrier barrier_id(%barrier3A)
    %dma_start3A_13 = arith.constant 0 : i32
    %dma_start3A_14 = arith.constant 0 : i32
    %dma_start3A_15 = arith.constant 0 : i32
    %dma_start3A_16 = arith.constant 0 : i32
    %dma_start3A_17 = tpu.memref_slice %arg7[%dma_start3A_14, %dma_start3A_15, %dma_start3A_16] : memref<8x64x128xf32, #tpu.memory_space<vmem>> -> memref<1x64x128xf32, #tpu.memory_space<vmem>>
    %dma_start3A_18 = tpu.memref_squeeze %dma_start3A_17 : memref<1x64x128xf32, #tpu.memory_space<vmem>> -> memref<64x128xf32, #tpu.memory_space<vmem>>
    %dma_start3A_19 = arith.constant 0 : i32
    %dma_start3A_20 = tpu.memref_slice %arg5[%dma_start3A_13, %dma_start3A_19] : memref<8x64xi32, #tpu.memory_space<vmem>> -> memref<1x64xi32, #tpu.memory_space<vmem>>
    %dma_start3A_21 = tpu.memref_squeeze %dma_start3A_20 : memref<1x64xi32, #tpu.memory_space<vmem>> -> memref<64xi32, #tpu.memory_space<vmem>>
    %dma_start3A_22 = arith.constant 0 : i32
    %dma_start3A_23 = arith.constant 0 : i32
    %dma_start3A_24 = tpu.memref_slice %arg6[%dma_start3A_22, %dma_start3A_23] : memref<4x128xf32, #tpu.memory_space<vmem_shared>> -> memref<4x128xf32, #tpu.memory_space<vmem_shared>>
    tpu.enqueue_indirect_dma source(%dma_start3A_24 : memref<4x128xf32, #tpu.memory_space<vmem_shared>>) target(%dma_start3A_18 : memref<64x128xf32, #tpu.memory_space<vmem>>) offsets(%dma_start3A_21 : memref<64xi32, #tpu.memory_space<vmem>>) semaphore(%arg9 : memref<!tpu.dma_semaphore, #tpu.memory_space<semaphore_mem>>)
    %dma_start3A_25 = arith.constant 1 : i32
    %dma_start3A_26 = arith.constant 1 : i32
    %dma_start3A_27 = arith.constant 0 : i32
    %dma_start3A_28 = arith.constant 0 : i32
    %dma_start3A_29 = tpu.memref_slice %arg7[%dma_start3A_26, %dma_start3A_27, %dma_start3A_28] : memref<8x64x128xf32, #tpu.memory_space<vmem>> -> memref<1x64x128xf32, #tpu.memory_space<vmem>>
    %dma_start3A_30 = tpu.memref_squeeze %dma_start3A_29 : memref<1x64x128xf32, #tpu.memory_space<vmem>> -> memref<64x128xf32, #tpu.memory_space<vmem>>
    %dma_start3A_31 = arith.constant 0 : i32
    %dma_start3A_32 = tpu.memref_slice %arg5[%dma_start3A_25, %dma_start3A_31] : memref<8x64xi32, #tpu.memory_space<vmem>> -> memref<1x64xi32, #tpu.memory_space<vmem>>
    %dma_start3A_33 = tpu.memref_squeeze %dma_start3A_32 : memref<1x64xi32, #tpu.memory_space<vmem>> -> memref<64xi32, #tpu.memory_space<vmem>>
    %dma_start3A_34 = arith.constant 0 : i32
    %dma_start3A_35 = arith.constant 0 : i32
    %dma_start3A_36 = tpu.memref_slice %arg6[%dma_start3A_34, %dma_start3A_35] : memref<4x128xf32, #tpu.memory_space<vmem_shared>> -> memref<4x128xf32, #tpu.memory_space<vmem_shared>>
    tpu.enqueue_indirect_dma source(%dma_start3A_36 : memref<4x128xf32, #tpu.memory_space<vmem_shared>>) target(%dma_start3A_30 : memref<64x128xf32, #tpu.memory_space<vmem>>) offsets(%dma_start3A_33 : memref<64xi32, #tpu.memory_space<vmem>>) semaphore(%arg9 : memref<!tpu.dma_semaphore, #tpu.memory_space<semaphore_mem>>)
    %dma_start3A_37 = arith.constant 2 : i32
    %dma_start3A_38 = arith.constant 2 : i32
    %dma_start3A_39 = arith.constant 0 : i32
    %dma_start3A_40 = arith.constant 0 : i32
    %dma_start3A_41 = tpu.memref_slice %arg7[%dma_start3A_38, %dma_start3A_39, %dma_start3A_40] : memref<8x64x128xf32, #tpu.memory_space<vmem>> -> memref<1x64x128xf32, #tpu.memory_space<vmem>>
    %dma_start3A_42 = tpu.memref_squeeze %dma_start3A_41 : memref<1x64x128xf32, #tpu.memory_space<vmem>> -> memref<64x128xf32, #tpu.memory_space<vmem>>
    %dma_start3A_43 = arith.constant 0 : i32
    %dma_start3A_44 = tpu.memref_slice %arg5[%dma_start3A_37, %dma_start3A_43] : memref<8x64xi32, #tpu.memory_space<vmem>> -> memref<1x64xi32, #tpu.memory_space<vmem>>
    %dma_start3A_45 = tpu.memref_squeeze %dma_start3A_44 : memref<1x64xi32, #tpu.memory_space<vmem>> -> memref<64xi32, #tpu.memory_space<vmem>>
    %dma_start3A_46 = arith.constant 0 : i32
    %dma_start3A_47 = arith.constant 0 : i32
    %dma_start3A_48 = tpu.memref_slice %arg6[%dma_start3A_46, %dma_start3A_47] : memref<4x128xf32, #tpu.memory_space<vmem_shared>> -> memref<4x128xf32, #tpu.memory_space<vmem_shared>>
    tpu.enqueue_indirect_dma source(%dma_start3A_48 : memref<4x128xf32, #tpu.memory_space<vmem_shared>>) target(%dma_start3A_42 : memref<64x128xf32, #tpu.memory_space<vmem>>) offsets(%dma_start3A_45 : memref<64xi32, #tpu.memory_space<vmem>>) semaphore(%arg9 : memref<!tpu.dma_semaphore, #tpu.memory_space<semaphore_mem>>)
    %dma_start3A_49 = arith.constant 3 : i32
    %dma_start3A_50 = arith.constant 3 : i32
    %dma_start3A_51 = arith.constant 0 : i32
    %dma_start3A_52 = arith.constant 0 : i32
    %dma_start3A_53 = tpu.memref_slice %arg7[%dma_start3A_50, %dma_start3A_51, %dma_start3A_52] : memref<8x64x128xf32, #tpu.memory_space<vmem>> -> memref<1x64x128xf32, #tpu.memory_space<vmem>>
    %dma_start3A_54 = tpu.memref_squeeze %dma_start3A_53 : memref<1x64x128xf32, #tpu.memory_space<vmem>> -> memref<64x128xf32, #tpu.memory_space<vmem>>
    %dma_start3A_55 = arith.constant 0 : i32
    %dma_start3A_56 = tpu.memref_slice %arg5[%dma_start3A_49, %dma_start3A_55] : memref<8x64xi32, #tpu.memory_space<vmem>> -> memref<1x64xi32, #tpu.memory_space<vmem>>
    %dma_start3A_57 = tpu.memref_squeeze %dma_start3A_56 : memref<1x64xi32, #tpu.memory_space<vmem>> -> memref<64xi32, #tpu.memory_space<vmem>>
    %dma_start3A_58 = arith.constant 0 : i32
    %dma_start3A_59 = arith.constant 0 : i32
    %dma_start3A_60 = tpu.memref_slice %arg6[%dma_start3A_58, %dma_start3A_59] : memref<4x128xf32, #tpu.memory_space<vmem_shared>> -> memref<4x128xf32, #tpu.memory_space<vmem_shared>>
    tpu.enqueue_indirect_dma source(%dma_start3A_60 : memref<4x128xf32, #tpu.memory_space<vmem_shared>>) target(%dma_start3A_54 : memref<64x128xf32, #tpu.memory_space<vmem>>) offsets(%dma_start3A_57 : memref<64xi32, #tpu.memory_space<vmem>>) semaphore(%arg9 : memref<!tpu.dma_semaphore, #tpu.memory_space<semaphore_mem>>)
    %dma_start3A_61 = arith.constant 4 : i32
    %dma_start3A_62 = arith.constant 4 : i32
    %dma_start3A_63 = arith.constant 0 : i32
    %dma_start3A_64 = arith.constant 0 : i32
    %dma_start3A_65 = tpu.memref_slice %arg7[%dma_start3A_62, %dma_start3A_63, %dma_start3A_64] : memref<8x64x128xf32, #tpu.memory_space<vmem>> -> memref<1x64x128xf32, #tpu.memory_space<vmem>>
    %dma_start3A_66 = tpu.memref_squeeze %dma_start3A_65 : memref<1x64x128xf32, #tpu.memory_space<vmem>> -> memref<64x128xf32, #tpu.memory_space<vmem>>
    %dma_start3A_67 = arith.constant 0 : i32
    %dma_start3A_68 = tpu.memref_slice %arg5[%dma_start3A_61, %dma_start3A_67] : memref<8x64xi32, #tpu.memory_space<vmem>> -> memref<1x64xi32, #tpu.memory_space<vmem>>
    %dma_start3A_69 = tpu.memref_squeeze %dma_start3A_68 : memref<1x64xi32, #tpu.memory_space<vmem>> -> memref<64xi32, #tpu.memory_space<vmem>>
    %dma_start3A_70 = arith.constant 0 : i32
    %dma_start3A_71 = arith.constant 0 : i32
    %dma_start3A_72 = tpu.memref_slice %arg6[%dma_start3A_70, %dma_start3A_71] : memref<4x128xf32, #tpu.memory_space<vmem_shared>> -> memref<4x128xf32, #tpu.memory_space<vmem_shared>>
    tpu.enqueue_indirect_dma source(%dma_start3A_72 : memref<4x128xf32, #tpu.memory_space<vmem_shared>>) target(%dma_start3A_66 : memref<64x128xf32, #tpu.memory_space<vmem>>) offsets(%dma_start3A_69 : memref<64xi32, #tpu.memory_space<vmem>>) semaphore(%arg9 : memref<!tpu.dma_semaphore, #tpu.memory_space<semaphore_mem>>)
    %dma_start3A_73 = arith.constant 5 : i32
    %dma_start3A_74 = arith.constant 5 : i32
    %dma_start3A_75 = arith.constant 0 : i32
    %dma_start3A_76 = arith.constant 0 : i32
    %dma_start3A_77 = tpu.memref_slice %arg7[%dma_start3A_74, %dma_start3A_75, %dma_start3A_76] : memref<8x64x128xf32, #tpu.memory_space<vmem>> -> memref<1x64x128xf32, #tpu.memory_space<vmem>>
    %dma_start3A_78 = tpu.memref_squeeze %dma_start3A_77 : memref<1x64x128xf32, #tpu.memory_space<vmem>> -> memref<64x128xf32, #tpu.memory_space<vmem>>
    %dma_start3A_79 = arith.constant 0 : i32
    %dma_start3A_80 = tpu.memref_slice %arg5[%dma_start3A_73, %dma_start3A_79] : memref<8x64xi32, #tpu.memory_space<vmem>> -> memref<1x64xi32, #tpu.memory_space<vmem>>
    %dma_start3A_81 = tpu.memref_squeeze %dma_start3A_80 : memref<1x64xi32, #tpu.memory_space<vmem>> -> memref<64xi32, #tpu.memory_space<vmem>>
    %dma_start3A_82 = arith.constant 0 : i32
    %dma_start3A_83 = arith.constant 0 : i32
    %dma_start3A_84 = tpu.memref_slice %arg6[%dma_start3A_82, %dma_start3A_83] : memref<4x128xf32, #tpu.memory_space<vmem_shared>> -> memref<4x128xf32, #tpu.memory_space<vmem_shared>>
    tpu.enqueue_indirect_dma source(%dma_start3A_84 : memref<4x128xf32, #tpu.memory_space<vmem_shared>>) target(%dma_start3A_78 : memref<64x128xf32, #tpu.memory_space<vmem>>) offsets(%dma_start3A_81 : memref<64xi32, #tpu.memory_space<vmem>>) semaphore(%arg9 : memref<!tpu.dma_semaphore, #tpu.memory_space<semaphore_mem>>)
    %dma_start3A_85 = arith.constant 6 : i32
    %dma_start3A_86 = arith.constant 6 : i32
    %dma_start3A_87 = arith.constant 0 : i32
    %dma_start3A_88 = arith.constant 0 : i32
    %dma_start3A_89 = tpu.memref_slice %arg7[%dma_start3A_86, %dma_start3A_87, %dma_start3A_88] : memref<8x64x128xf32, #tpu.memory_space<vmem>> -> memref<1x64x128xf32, #tpu.memory_space<vmem>>
    %dma_start3A_90 = tpu.memref_squeeze %dma_start3A_89 : memref<1x64x128xf32, #tpu.memory_space<vmem>> -> memref<64x128xf32, #tpu.memory_space<vmem>>
    %dma_start3A_91 = arith.constant 0 : i32
    %dma_start3A_92 = tpu.memref_slice %arg5[%dma_start3A_85, %dma_start3A_91] : memref<8x64xi32, #tpu.memory_space<vmem>> -> memref<1x64xi32, #tpu.memory_space<vmem>>
    %dma_start3A_93 = tpu.memref_squeeze %dma_start3A_92 : memref<1x64xi32, #tpu.memory_space<vmem>> -> memref<64xi32, #tpu.memory_space<vmem>>
    %dma_start3A_94 = arith.constant 0 : i32
    %dma_start3A_95 = arith.constant 0 : i32
    %dma_start3A_96 = tpu.memref_slice %arg6[%dma_start3A_94, %dma_start3A_95] : memref<4x128xf32, #tpu.memory_space<vmem_shared>> -> memref<4x128xf32, #tpu.memory_space<vmem_shared>>
    tpu.enqueue_indirect_dma source(%dma_start3A_96 : memref<4x128xf32, #tpu.memory_space<vmem_shared>>) target(%dma_start3A_90 : memref<64x128xf32, #tpu.memory_space<vmem>>) offsets(%dma_start3A_93 : memref<64xi32, #tpu.memory_space<vmem>>) semaphore(%arg9 : memref<!tpu.dma_semaphore, #tpu.memory_space<semaphore_mem>>)
    %dma_start3A_97 = arith.constant 7 : i32
    %dma_start3A_98 = arith.constant 7 : i32
    %dma_start3A_99 = arith.constant 0 : i32
    %dma_start3A_100 = arith.constant 0 : i32
    %dma_start3A_101 = tpu.memref_slice %arg7[%dma_start3A_98, %dma_start3A_99, %dma_start3A_100] : memref<8x64x128xf32, #tpu.memory_space<vmem>> -> memref<1x64x128xf32, #tpu.memory_space<vmem>>
    %dma_start3A_102 = tpu.memref_squeeze %dma_start3A_101 : memref<1x64x128xf32, #tpu.memory_space<vmem>> -> memref<64x128xf32, #tpu.memory_space<vmem>>
    %dma_start3A_103 = arith.constant 0 : i32
    %dma_start3A_104 = tpu.memref_slice %arg5[%dma_start3A_97, %dma_start3A_103] : memref<8x64xi32, #tpu.memory_space<vmem>> -> memref<1x64xi32, #tpu.memory_space<vmem>>
    %dma_start3A_105 = tpu.memref_squeeze %dma_start3A_104 : memref<1x64xi32, #tpu.memory_space<vmem>> -> memref<64xi32, #tpu.memory_space<vmem>>
    %dma_start3A_106 = arith.constant 0 : i32
    %dma_start3A_107 = arith.constant 0 : i32
    %dma_start3A_108 = tpu.memref_slice %arg6[%dma_start3A_106, %dma_start3A_107] : memref<4x128xf32, #tpu.memory_space<vmem_shared>> -> memref<4x128xf32, #tpu.memory_space<vmem_shared>>
    tpu.enqueue_indirect_dma source(%dma_start3A_108 : memref<4x128xf32, #tpu.memory_space<vmem_shared>>) target(%dma_start3A_102 : memref<64x128xf32, #tpu.memory_space<vmem>>) offsets(%dma_start3A_105 : memref<64xi32, #tpu.memory_space<vmem>>) semaphore(%arg9 : memref<!tpu.dma_semaphore, #tpu.memory_space<semaphore_mem>>)
    %dma_wait3A_109 = arith.constant 0 : i32
    %dma_wait3A_110 = arith.constant 0 : i32
    %dma_wait3A_111 = arith.constant 0 : i32
    %dma_wait3A_112 = arith.constant 0 : i32
    %dma_wait3A_113 = tpu.memref_slice %arg7[%dma_wait3A_110, %dma_wait3A_111, %dma_wait3A_112] : memref<8x64x128xf32, #tpu.memory_space<vmem>> -> memref<1x64x128xf32, #tpu.memory_space<vmem>>
    %dma_wait3A_114 = tpu.memref_squeeze %dma_wait3A_113 : memref<1x64x128xf32, #tpu.memory_space<vmem>> -> memref<64x128xf32, #tpu.memory_space<vmem>>
    %dma_wait3A_115 = arith.constant 0 : i32
    %dma_wait3A_116 = tpu.memref_slice %arg5[%dma_wait3A_109, %dma_wait3A_115] : memref<8x64xi32, #tpu.memory_space<vmem>> -> memref<1x64xi32, #tpu.memory_space<vmem>>
    %dma_wait3A_117 = tpu.memref_squeeze %dma_wait3A_116 : memref<1x64xi32, #tpu.memory_space<vmem>> -> memref<64xi32, #tpu.memory_space<vmem>>
    %dma_wait3A_118 = arith.constant 0 : i32
    %dma_wait3A_119 = arith.constant 0 : i32
    %dma_wait3A_120 = tpu.memref_slice %arg6[%dma_wait3A_118, %dma_wait3A_119] : memref<4x128xf32, #tpu.memory_space<vmem_shared>> -> memref<4x128xf32, #tpu.memory_space<vmem_shared>>
    tpu.wait_indirect_dma semaphore(%arg9 : memref<!tpu.dma_semaphore, #tpu.memory_space<semaphore_mem>>) src(%dma_wait3A_120 : memref<4x128xf32, #tpu.memory_space<vmem_shared>>) dst(%dma_wait3A_114 : memref<64x128xf32, #tpu.memory_space<vmem>>)
    %add3A_121 = arith.constant 0 : i32
    %add3A_122 = arith.addi %mul3A_2, %add3A_121 : i32
    %dma_start3A_123 = arith.constant 0 : i32
    %dma_start3A_124 = arith.constant 0 : i32
    %dma_start3A_125 = arith.constant 0 : i32
    %dma_start3A_126 = tpu.memref_slice %arg7[%dma_start3A_123, %dma_start3A_124, %dma_start3A_125] : memref<8x64x128xf32, #tpu.memory_space<vmem>> -> memref<1x64x128xf32, #tpu.memory_space<vmem>>
    %dma_start3A_127 = tpu.memref_squeeze %dma_start3A_126 : memref<1x64x128xf32, #tpu.memory_space<vmem>> -> memref<64x128xf32, #tpu.memory_space<vmem>>
    %dma_start3A_128 = arith.constant 0 : i32
    %dma_start3A_129 = tpu.memref_slice %arg4[%add3A_122, %dma_start3A_128] : memref<16384x128xf32, #tpu.memory_space<hbm>> -> memref<64x128xf32, #tpu.memory_space<hbm>>
    %dma_start3A_130 = arith.constant 0 : i32
    %dma_start3A_131 = tpu.memref_slice %arg4[%add3A_122, %dma_start3A_130] : memref<16384x128xf32, #tpu.memory_space<hbm>> -> memref<64x128xf32, #tpu.memory_space<hbm>>
    %dma_start3A_132 = arith.constant 0 : i32
    %dma_start3A_133 = arith.constant 0 : i32
    %dma_start3A_134 = tpu.memref_slice %arg7[%dma_start3A_123, %dma_start3A_132, %dma_start3A_133] : memref<8x64x128xf32, #tpu.memory_space<vmem>> -> memref<1x64x128xf32, #tpu.memory_space<vmem>>
    %dma_start3A_135 = tpu.memref_squeeze %dma_start3A_134 : memref<1x64x128xf32, #tpu.memory_space<vmem>> -> memref<64x128xf32, #tpu.memory_space<vmem>>
    tpu.enqueue_dma source(%dma_start3A_135 : memref<64x128xf32, #tpu.memory_space<vmem>>) target(%dma_start3A_131 : memref<64x128xf32, #tpu.memory_space<hbm>>) target_semaphore(%arg10 : memref<!tpu.dma_semaphore, #tpu.memory_space<semaphore_mem>>)
    %dma_wait3A_136 = arith.constant 1 : i32
    %dma_wait3A_137 = arith.constant 1 : i32
    %dma_wait3A_138 = arith.constant 0 : i32
    %dma_wait3A_139 = arith.constant 0 : i32
    %dma_wait3A_140 = tpu.memref_slice %arg7[%dma_wait3A_137, %dma_wait3A_138, %dma_wait3A_139] : memref<8x64x128xf32, #tpu.memory_space<vmem>> -> memref<1x64x128xf32, #tpu.memory_space<vmem>>
    %dma_wait3A_141 = tpu.memref_squeeze %dma_wait3A_140 : memref<1x64x128xf32, #tpu.memory_space<vmem>> -> memref<64x128xf32, #tpu.memory_space<vmem>>
    %dma_wait3A_142 = arith.constant 0 : i32
    %dma_wait3A_143 = tpu.memref_slice %arg5[%dma_wait3A_136, %dma_wait3A_142] : memref<8x64xi32, #tpu.memory_space<vmem>> -> memref<1x64xi32, #tpu.memory_space<vmem>>
    %dma_wait3A_144 = tpu.memref_squeeze %dma_wait3A_143 : memref<1x64xi32, #tpu.memory_space<vmem>> -> memref<64xi32, #tpu.memory_space<vmem>>
    %dma_wait3A_145 = arith.constant 0 : i32
    %dma_wait3A_146 = arith.constant 0 : i32
    %dma_wait3A_147 = tpu.memref_slice %arg6[%dma_wait3A_145, %dma_wait3A_146] : memref<4x128xf32, #tpu.memory_space<vmem_shared>> -> memref<4x128xf32, #tpu.memory_space<vmem_shared>>
    tpu.wait_indirect_dma semaphore(%arg9 : memref<!tpu.dma_semaphore, #tpu.memory_space<semaphore_mem>>) src(%dma_wait3A_147 : memref<4x128xf32, #tpu.memory_space<vmem_shared>>) dst(%dma_wait3A_141 : memref<64x128xf32, #tpu.memory_space<vmem>>)
    %add3A_148 = arith.constant 64 : i32
    %add3A_149 = arith.addi %mul3A_2, %add3A_148 : i32
    %dma_start3A_150 = arith.constant 1 : i32
    %dma_start3A_151 = arith.constant 0 : i32
    %dma_start3A_152 = arith.constant 0 : i32
    %dma_start3A_153 = tpu.memref_slice %arg7[%dma_start3A_150, %dma_start3A_151, %dma_start3A_152] : memref<8x64x128xf32, #tpu.memory_space<vmem>> -> memref<1x64x128xf32, #tpu.memory_space<vmem>>
    %dma_start3A_154 = tpu.memref_squeeze %dma_start3A_153 : memref<1x64x128xf32, #tpu.memory_space<vmem>> -> memref<64x128xf32, #tpu.memory_space<vmem>>
    %dma_start3A_155 = arith.constant 0 : i32
    %dma_start3A_156 = tpu.memref_slice %arg4[%add3A_149, %dma_start3A_155] : memref<16384x128xf32, #tpu.memory_space<hbm>> -> memref<64x128xf32, #tpu.memory_space<hbm>>
    %dma_start3A_157 = arith.constant 0 : i32
    %dma_start3A_158 = tpu.memref_slice %arg4[%add3A_149, %dma_start3A_157] : memref<16384x128xf32, #tpu.memory_space<hbm>> -> memref<64x128xf32, #tpu.memory_space<hbm>>
    %dma_start3A_159 = arith.constant 0 : i32
    %dma_start3A_160 = arith.constant 0 : i32
    %dma_start3A_161 = tpu.memref_slice %arg7[%dma_start3A_150, %dma_start3A_159, %dma_start3A_160] : memref<8x64x128xf32, #tpu.memory_space<vmem>> -> memref<1x64x128xf32, #tpu.memory_space<vmem>>
    %dma_start3A_162 = tpu.memref_squeeze %dma_start3A_161 : memref<1x64x128xf32, #tpu.memory_space<vmem>> -> memref<64x128xf32, #tpu.memory_space<vmem>>
    tpu.enqueue_dma source(%dma_start3A_162 : memref<64x128xf32, #tpu.memory_space<vmem>>) target(%dma_start3A_158 : memref<64x128xf32, #tpu.memory_space<hbm>>) target_semaphore(%arg10 : memref<!tpu.dma_semaphore, #tpu.memory_space<semaphore_mem>>)
    %dma_wait3A_163 = arith.constant 2 : i32
    %dma_wait3A_164 = arith.constant 2 : i32
    %dma_wait3A_165 = arith.constant 0 : i32
    %dma_wait3A_166 = arith.constant 0 : i32
    %dma_wait3A_167 = tpu.memref_slice %arg7[%dma_wait3A_164, %dma_wait3A_165, %dma_wait3A_166] : memref<8x64x128xf32, #tpu.memory_space<vmem>> -> memref<1x64x128xf32, #tpu.memory_space<vmem>>
    %dma_wait3A_168 = tpu.memref_squeeze %dma_wait3A_167 : memref<1x64x128xf32, #tpu.memory_space<vmem>> -> memref<64x128xf32, #tpu.memory_space<vmem>>
    %dma_wait3A_169 = arith.constant 0 : i32
    %dma_wait3A_170 = tpu.memref_slice %arg5[%dma_wait3A_163, %dma_wait3A_169] : memref<8x64xi32, #tpu.memory_space<vmem>> -> memref<1x64xi32, #tpu.memory_space<vmem>>
    %dma_wait3A_171 = tpu.memref_squeeze %dma_wait3A_170 : memref<1x64xi32, #tpu.memory_space<vmem>> -> memref<64xi32, #tpu.memory_space<vmem>>
    %dma_wait3A_172 = arith.constant 0 : i32
    %dma_wait3A_173 = arith.constant 0 : i32
    %dma_wait3A_174 = tpu.memref_slice %arg6[%dma_wait3A_172, %dma_wait3A_173] : memref<4x128xf32, #tpu.memory_space<vmem_shared>> -> memref<4x128xf32, #tpu.memory_space<vmem_shared>>
    tpu.wait_indirect_dma semaphore(%arg9 : memref<!tpu.dma_semaphore, #tpu.memory_space<semaphore_mem>>) src(%dma_wait3A_174 : memref<4x128xf32, #tpu.memory_space<vmem_shared>>) dst(%dma_wait3A_168 : memref<64x128xf32, #tpu.memory_space<vmem>>)
    %add3A_175 = arith.constant 128 : i32
    %add3A_176 = arith.addi %mul3A_2, %add3A_175 : i32
    %dma_start3A_177 = arith.constant 2 : i32
    %dma_start3A_178 = arith.constant 0 : i32
    %dma_start3A_179 = arith.constant 0 : i32
    %dma_start3A_180 = tpu.memref_slice %arg7[%dma_start3A_177, %dma_start3A_178, %dma_start3A_179] : memref<8x64x128xf32, #tpu.memory_space<vmem>> -> memref<1x64x128xf32, #tpu.memory_space<vmem>>
    %dma_start3A_181 = tpu.memref_squeeze %dma_start3A_180 : memref<1x64x128xf32, #tpu.memory_space<vmem>> -> memref<64x128xf32, #tpu.memory_space<vmem>>
    %dma_start3A_182 = arith.constant 0 : i32
    %dma_start3A_183 = tpu.memref_slice %arg4[%add3A_176, %dma_start3A_182] : memref<16384x128xf32, #tpu.memory_space<hbm>> -> memref<64x128xf32, #tpu.memory_space<hbm>>
    %dma_start3A_184 = arith.constant 0 : i32
    %dma_start3A_185 = tpu.memref_slice %arg4[%add3A_176, %dma_start3A_184] : memref<16384x128xf32, #tpu.memory_space<hbm>> -> memref<64x128xf32, #tpu.memory_space<hbm>>
    %dma_start3A_186 = arith.constant 0 : i32
    %dma_start3A_187 = arith.constant 0 : i32
    %dma_start3A_188 = tpu.memref_slice %arg7[%dma_start3A_177, %dma_start3A_186, %dma_start3A_187] : memref<8x64x128xf32, #tpu.memory_space<vmem>> -> memref<1x64x128xf32, #tpu.memory_space<vmem>>
    %dma_start3A_189 = tpu.memref_squeeze %dma_start3A_188 : memref<1x64x128xf32, #tpu.memory_space<vmem>> -> memref<64x128xf32, #tpu.memory_space<vmem>>
    tpu.enqueue_dma source(%dma_start3A_189 : memref<64x128xf32, #tpu.memory_space<vmem>>) target(%dma_start3A_185 : memref<64x128xf32, #tpu.memory_space<hbm>>) target_semaphore(%arg10 : memref<!tpu.dma_semaphore, #tpu.memory_space<semaphore_mem>>)
    %dma_wait3A_190 = arith.constant 3 : i32
    %dma_wait3A_191 = arith.constant 3 : i32
    %dma_wait3A_192 = arith.constant 0 : i32
    %dma_wait3A_193 = arith.constant 0 : i32
    %dma_wait3A_194 = tpu.memref_slice %arg7[%dma_wait3A_191, %dma_wait3A_192, %dma_wait3A_193] : memref<8x64x128xf32, #tpu.memory_space<vmem>> -> memref<1x64x128xf32, #tpu.memory_space<vmem>>
    %dma_wait3A_195 = tpu.memref_squeeze %dma_wait3A_194 : memref<1x64x128xf32, #tpu.memory_space<vmem>> -> memref<64x128xf32, #tpu.memory_space<vmem>>
    %dma_wait3A_196 = arith.constant 0 : i32
    %dma_wait3A_197 = tpu.memref_slice %arg5[%dma_wait3A_190, %dma_wait3A_196] : memref<8x64xi32, #tpu.memory_space<vmem>> -> memref<1x64xi32, #tpu.memory_space<vmem>>
    %dma_wait3A_198 = tpu.memref_squeeze %dma_wait3A_197 : memref<1x64xi32, #tpu.memory_space<vmem>> -> memref<64xi32, #tpu.memory_space<vmem>>
    %dma_wait3A_199 = arith.constant 0 : i32
    %dma_wait3A_200 = arith.constant 0 : i32
    %dma_wait3A_201 = tpu.memref_slice %arg6[%dma_wait3A_199, %dma_wait3A_200] : memref<4x128xf32, #tpu.memory_space<vmem_shared>> -> memref<4x128xf32, #tpu.memory_space<vmem_shared>>
    tpu.wait_indirect_dma semaphore(%arg9 : memref<!tpu.dma_semaphore, #tpu.memory_space<semaphore_mem>>) src(%dma_wait3A_201 : memref<4x128xf32, #tpu.memory_space<vmem_shared>>) dst(%dma_wait3A_195 : memref<64x128xf32, #tpu.memory_space<vmem>>)
    %add3A_202 = arith.constant 192 : i32
    %add3A_203 = arith.addi %mul3A_2, %add3A_202 : i32
    %dma_start3A_204 = arith.constant 3 : i32
    %dma_start3A_205 = arith.constant 0 : i32
    %dma_start3A_206 = arith.constant 0 : i32
    %dma_start3A_207 = tpu.memref_slice %arg7[%dma_start3A_204, %dma_start3A_205, %dma_start3A_206] : memref<8x64x128xf32, #tpu.memory_space<vmem>> -> memref<1x64x128xf32, #tpu.memory_space<vmem>>
    %dma_start3A_208 = tpu.memref_squeeze %dma_start3A_207 : memref<1x64x128xf32, #tpu.memory_space<vmem>> -> memref<64x128xf32, #tpu.memory_space<vmem>>
    %dma_start3A_209 = arith.constant 0 : i32
    %dma_start3A_210 = tpu.memref_slice %arg4[%add3A_203, %dma_start3A_209] : memref<16384x128xf32, #tpu.memory_space<hbm>> -> memref<64x128xf32, #tpu.memory_space<hbm>>
    %dma_start3A_211 = arith.constant 0 : i32
    %dma_start3A_212 = tpu.memref_slice %arg4[%add3A_203, %dma_start3A_211] : memref<16384x128xf32, #tpu.memory_space<hbm>> -> memref<64x128xf32, #tpu.memory_space<hbm>>
    %dma_start3A_213 = arith.constant 0 : i32
    %dma_start3A_214 = arith.constant 0 : i32
    %dma_start3A_215 = tpu.memref_slice %arg7[%dma_start3A_204, %dma_start3A_213, %dma_start3A_214] : memref<8x64x128xf32, #tpu.memory_space<vmem>> -> memref<1x64x128xf32, #tpu.memory_space<vmem>>
    %dma_start3A_216 = tpu.memref_squeeze %dma_start3A_215 : memref<1x64x128xf32, #tpu.memory_space<vmem>> -> memref<64x128xf32, #tpu.memory_space<vmem>>
    tpu.enqueue_dma source(%dma_start3A_216 : memref<64x128xf32, #tpu.memory_space<vmem>>) target(%dma_start3A_212 : memref<64x128xf32, #tpu.memory_space<hbm>>) target_semaphore(%arg10 : memref<!tpu.dma_semaphore, #tpu.memory_space<semaphore_mem>>)
    %dma_wait3A_217 = arith.constant 4 : i32
    %dma_wait3A_218 = arith.constant 4 : i32
    %dma_wait3A_219 = arith.constant 0 : i32
    %dma_wait3A_220 = arith.constant 0 : i32
    %dma_wait3A_221 = tpu.memref_slice %arg7[%dma_wait3A_218, %dma_wait3A_219, %dma_wait3A_220] : memref<8x64x128xf32, #tpu.memory_space<vmem>> -> memref<1x64x128xf32, #tpu.memory_space<vmem>>
    %dma_wait3A_222 = tpu.memref_squeeze %dma_wait3A_221 : memref<1x64x128xf32, #tpu.memory_space<vmem>> -> memref<64x128xf32, #tpu.memory_space<vmem>>
    %dma_wait3A_223 = arith.constant 0 : i32
    %dma_wait3A_224 = tpu.memref_slice %arg5[%dma_wait3A_217, %dma_wait3A_223] : memref<8x64xi32, #tpu.memory_space<vmem>> -> memref<1x64xi32, #tpu.memory_space<vmem>>
    %dma_wait3A_225 = tpu.memref_squeeze %dma_wait3A_224 : memref<1x64xi32, #tpu.memory_space<vmem>> -> memref<64xi32, #tpu.memory_space<vmem>>
    %dma_wait3A_226 = arith.constant 0 : i32
    %dma_wait3A_227 = arith.constant 0 : i32
    %dma_wait3A_228 = tpu.memref_slice %arg6[%dma_wait3A_226, %dma_wait3A_227] : memref<4x128xf32, #tpu.memory_space<vmem_shared>> -> memref<4x128xf32, #tpu.memory_space<vmem_shared>>
    tpu.wait_indirect_dma semaphore(%arg9 : memref<!tpu.dma_semaphore, #tpu.memory_space<semaphore_mem>>) src(%dma_wait3A_228 : memref<4x128xf32, #tpu.memory_space<vmem_shared>>) dst(%dma_wait3A_222 : memref<64x128xf32, #tpu.memory_space<vmem>>)
    %add3A_229 = arith.constant 256 : i32
    %add3A_230 = arith.addi %mul3A_2, %add3A_229 : i32
    %dma_start3A_231 = arith.constant 4 : i32
    %dma_start3A_232 = arith.constant 0 : i32
    %dma_start3A_233 = arith.constant 0 : i32
    %dma_start3A_234 = tpu.memref_slice %arg7[%dma_start3A_231, %dma_start3A_232, %dma_start3A_233] : memref<8x64x128xf32, #tpu.memory_space<vmem>> -> memref<1x64x128xf32, #tpu.memory_space<vmem>>
    %dma_start3A_235 = tpu.memref_squeeze %dma_start3A_234 : memref<1x64x128xf32, #tpu.memory_space<vmem>> -> memref<64x128xf32, #tpu.memory_space<vmem>>
    %dma_start3A_236 = arith.constant 0 : i32
    %dma_start3A_237 = tpu.memref_slice %arg4[%add3A_230, %dma_start3A_236] : memref<16384x128xf32, #tpu.memory_space<hbm>> -> memref<64x128xf32, #tpu.memory_space<hbm>>
    %dma_start3A_238 = arith.constant 0 : i32
    %dma_start3A_239 = tpu.memref_slice %arg4[%add3A_230, %dma_start3A_238] : memref<16384x128xf32, #tpu.memory_space<hbm>> -> memref<64x128xf32, #tpu.memory_space<hbm>>
    %dma_start3A_240 = arith.constant 0 : i32
    %dma_start3A_241 = arith.constant 0 : i32
    %dma_start3A_242 = tpu.memref_slice %arg7[%dma_start3A_231, %dma_start3A_240, %dma_start3A_241] : memref<8x64x128xf32, #tpu.memory_space<vmem>> -> memref<1x64x128xf32, #tpu.memory_space<vmem>>
    %dma_start3A_243 = tpu.memref_squeeze %dma_start3A_242 : memref<1x64x128xf32, #tpu.memory_space<vmem>> -> memref<64x128xf32, #tpu.memory_space<vmem>>
    tpu.enqueue_dma source(%dma_start3A_243 : memref<64x128xf32, #tpu.memory_space<vmem>>) target(%dma_start3A_239 : memref<64x128xf32, #tpu.memory_space<hbm>>) target_semaphore(%arg10 : memref<!tpu.dma_semaphore, #tpu.memory_space<semaphore_mem>>)
    %dma_wait3A_244 = arith.constant 5 : i32
    %dma_wait3A_245 = arith.constant 5 : i32
    %dma_wait3A_246 = arith.constant 0 : i32
    %dma_wait3A_247 = arith.constant 0 : i32
    %dma_wait3A_248 = tpu.memref_slice %arg7[%dma_wait3A_245, %dma_wait3A_246, %dma_wait3A_247] : memref<8x64x128xf32, #tpu.memory_space<vmem>> -> memref<1x64x128xf32, #tpu.memory_space<vmem>>
    %dma_wait3A_249 = tpu.memref_squeeze %dma_wait3A_248 : memref<1x64x128xf32, #tpu.memory_space<vmem>> -> memref<64x128xf32, #tpu.memory_space<vmem>>
    %dma_wait3A_250 = arith.constant 0 : i32
    %dma_wait3A_251 = tpu.memref_slice %arg5[%dma_wait3A_244, %dma_wait3A_250] : memref<8x64xi32, #tpu.memory_space<vmem>> -> memref<1x64xi32, #tpu.memory_space<vmem>>
    %dma_wait3A_252 = tpu.memref_squeeze %dma_wait3A_251 : memref<1x64xi32, #tpu.memory_space<vmem>> -> memref<64xi32, #tpu.memory_space<vmem>>
    %dma_wait3A_253 = arith.constant 0 : i32
    %dma_wait3A_254 = arith.constant 0 : i32
    %dma_wait3A_255 = tpu.memref_slice %arg6[%dma_wait3A_253, %dma_wait3A_254] : memref<4x128xf32, #tpu.memory_space<vmem_shared>> -> memref<4x128xf32, #tpu.memory_space<vmem_shared>>
    tpu.wait_indirect_dma semaphore(%arg9 : memref<!tpu.dma_semaphore, #tpu.memory_space<semaphore_mem>>) src(%dma_wait3A_255 : memref<4x128xf32, #tpu.memory_space<vmem_shared>>) dst(%dma_wait3A_249 : memref<64x128xf32, #tpu.memory_space<vmem>>)
    %add3A_256 = arith.constant 320 : i32
    %add3A_257 = arith.addi %mul3A_2, %add3A_256 : i32
    %dma_start3A_258 = arith.constant 5 : i32
    %dma_start3A_259 = arith.constant 0 : i32
    %dma_start3A_260 = arith.constant 0 : i32
    %dma_start3A_261 = tpu.memref_slice %arg7[%dma_start3A_258, %dma_start3A_259, %dma_start3A_260] : memref<8x64x128xf32, #tpu.memory_space<vmem>> -> memref<1x64x128xf32, #tpu.memory_space<vmem>>
    %dma_start3A_262 = tpu.memref_squeeze %dma_start3A_261 : memref<1x64x128xf32, #tpu.memory_space<vmem>> -> memref<64x128xf32, #tpu.memory_space<vmem>>
    %dma_start3A_263 = arith.constant 0 : i32
    %dma_start3A_264 = tpu.memref_slice %arg4[%add3A_257, %dma_start3A_263] : memref<16384x128xf32, #tpu.memory_space<hbm>> -> memref<64x128xf32, #tpu.memory_space<hbm>>
    %dma_start3A_265 = arith.constant 0 : i32
    %dma_start3A_266 = tpu.memref_slice %arg4[%add3A_257, %dma_start3A_265] : memref<16384x128xf32, #tpu.memory_space<hbm>> -> memref<64x128xf32, #tpu.memory_space<hbm>>
    %dma_start3A_267 = arith.constant 0 : i32
    %dma_start3A_268 = arith.constant 0 : i32
    %dma_start3A_269 = tpu.memref_slice %arg7[%dma_start3A_258, %dma_start3A_267, %dma_start3A_268] : memref<8x64x128xf32, #tpu.memory_space<vmem>> -> memref<1x64x128xf32, #tpu.memory_space<vmem>>
    %dma_start3A_270 = tpu.memref_squeeze %dma_start3A_269 : memref<1x64x128xf32, #tpu.memory_space<vmem>> -> memref<64x128xf32, #tpu.memory_space<vmem>>
    tpu.enqueue_dma source(%dma_start3A_270 : memref<64x128xf32, #tpu.memory_space<vmem>>) target(%dma_start3A_266 : memref<64x128xf32, #tpu.memory_space<hbm>>) target_semaphore(%arg10 : memref<!tpu.dma_semaphore, #tpu.memory_space<semaphore_mem>>)
    %dma_wait3A_271 = arith.constant 6 : i32
    %dma_wait3A_272 = arith.constant 6 : i32
    %dma_wait3A_273 = arith.constant 0 : i32
    %dma_wait3A_274 = arith.constant 0 : i32
    %dma_wait3A_275 = tpu.memref_slice %arg7[%dma_wait3A_272, %dma_wait3A_273, %dma_wait3A_274] : memref<8x64x128xf32, #tpu.memory_space<vmem>> -> memref<1x64x128xf32, #tpu.memory_space<vmem>>
    %dma_wait3A_276 = tpu.memref_squeeze %dma_wait3A_275 : memref<1x64x128xf32, #tpu.memory_space<vmem>> -> memref<64x128xf32, #tpu.memory_space<vmem>>
    %dma_wait3A_277 = arith.constant 0 : i32
    %dma_wait3A_278 = tpu.memref_slice %arg5[%dma_wait3A_271, %dma_wait3A_277] : memref<8x64xi32, #tpu.memory_space<vmem>> -> memref<1x64xi32, #tpu.memory_space<vmem>>
    %dma_wait3A_279 = tpu.memref_squeeze %dma_wait3A_278 : memref<1x64xi32, #tpu.memory_space<vmem>> -> memref<64xi32, #tpu.memory_space<vmem>>
    %dma_wait3A_280 = arith.constant 0 : i32
    %dma_wait3A_281 = arith.constant 0 : i32
    %dma_wait3A_282 = tpu.memref_slice %arg6[%dma_wait3A_280, %dma_wait3A_281] : memref<4x128xf32, #tpu.memory_space<vmem_shared>> -> memref<4x128xf32, #tpu.memory_space<vmem_shared>>
    tpu.wait_indirect_dma semaphore(%arg9 : memref<!tpu.dma_semaphore, #tpu.memory_space<semaphore_mem>>) src(%dma_wait3A_282 : memref<4x128xf32, #tpu.memory_space<vmem_shared>>) dst(%dma_wait3A_276 : memref<64x128xf32, #tpu.memory_space<vmem>>)
    %add3A_283 = arith.constant 384 : i32
    %add3A_284 = arith.addi %mul3A_2, %add3A_283 : i32
    %dma_start3A_285 = arith.constant 6 : i32
    %dma_start3A_286 = arith.constant 0 : i32
    %dma_start3A_287 = arith.constant 0 : i32
    %dma_start3A_288 = tpu.memref_slice %arg7[%dma_start3A_285, %dma_start3A_286, %dma_start3A_287] : memref<8x64x128xf32, #tpu.memory_space<vmem>> -> memref<1x64x128xf32, #tpu.memory_space<vmem>>
    %dma_start3A_289 = tpu.memref_squeeze %dma_start3A_288 : memref<1x64x128xf32, #tpu.memory_space<vmem>> -> memref<64x128xf32, #tpu.memory_space<vmem>>
    %dma_start3A_290 = arith.constant 0 : i32
    %dma_start3A_291 = tpu.memref_slice %arg4[%add3A_284, %dma_start3A_290] : memref<16384x128xf32, #tpu.memory_space<hbm>> -> memref<64x128xf32, #tpu.memory_space<hbm>>
    %dma_start3A_292 = arith.constant 0 : i32
    %dma_start3A_293 = tpu.memref_slice %arg4[%add3A_284, %dma_start3A_292] : memref<16384x128xf32, #tpu.memory_space<hbm>> -> memref<64x128xf32, #tpu.memory_space<hbm>>
    %dma_start3A_294 = arith.constant 0 : i32
    %dma_start3A_295 = arith.constant 0 : i32
    %dma_start3A_296 = tpu.memref_slice %arg7[%dma_start3A_285, %dma_start3A_294, %dma_start3A_295] : memref<8x64x128xf32, #tpu.memory_space<vmem>> -> memref<1x64x128xf32, #tpu.memory_space<vmem>>
    %dma_start3A_297 = tpu.memref_squeeze %dma_start3A_296 : memref<1x64x128xf32, #tpu.memory_space<vmem>> -> memref<64x128xf32, #tpu.memory_space<vmem>>
    tpu.enqueue_dma source(%dma_start3A_297 : memref<64x128xf32, #tpu.memory_space<vmem>>) target(%dma_start3A_293 : memref<64x128xf32, #tpu.memory_space<hbm>>) target_semaphore(%arg10 : memref<!tpu.dma_semaphore, #tpu.memory_space<semaphore_mem>>)
    %dma_wait3A_298 = arith.constant 7 : i32
    %dma_wait3A_299 = arith.constant 7 : i32
    %dma_wait3A_300 = arith.constant 0 : i32
    %dma_wait3A_301 = arith.constant 0 : i32
    %dma_wait3A_302 = tpu.memref_slice %arg7[%dma_wait3A_299, %dma_wait3A_300, %dma_wait3A_301] : memref<8x64x128xf32, #tpu.memory_space<vmem>> -> memref<1x64x128xf32, #tpu.memory_space<vmem>>
    %dma_wait3A_303 = tpu.memref_squeeze %dma_wait3A_302 : memref<1x64x128xf32, #tpu.memory_space<vmem>> -> memref<64x128xf32, #tpu.memory_space<vmem>>
    %dma_wait3A_304 = arith.constant 0 : i32
    %dma_wait3A_305 = tpu.memref_slice %arg5[%dma_wait3A_298, %dma_wait3A_304] : memref<8x64xi32, #tpu.memory_space<vmem>> -> memref<1x64xi32, #tpu.memory_space<vmem>>
    %dma_wait3A_306 = tpu.memref_squeeze %dma_wait3A_305 : memref<1x64xi32, #tpu.memory_space<vmem>> -> memref<64xi32, #tpu.memory_space<vmem>>
    %dma_wait3A_307 = arith.constant 0 : i32
    %dma_wait3A_308 = arith.constant 0 : i32
    %dma_wait3A_309 = tpu.memref_slice %arg6[%dma_wait3A_307, %dma_wait3A_308] : memref<4x128xf32, #tpu.memory_space<vmem_shared>> -> memref<4x128xf32, #tpu.memory_space<vmem_shared>>
    tpu.wait_indirect_dma semaphore(%arg9 : memref<!tpu.dma_semaphore, #tpu.memory_space<semaphore_mem>>) src(%dma_wait3A_309 : memref<4x128xf32, #tpu.memory_space<vmem_shared>>) dst(%dma_wait3A_303 : memref<64x128xf32, #tpu.memory_space<vmem>>)
    %add3A_310 = arith.constant 448 : i32
    %add3A_311 = arith.addi %mul3A_2, %add3A_310 : i32
    %dma_start3A_312 = arith.constant 7 : i32
    %dma_start3A_313 = arith.constant 0 : i32
    %dma_start3A_314 = arith.constant 0 : i32
    %dma_start3A_315 = tpu.memref_slice %arg7[%dma_start3A_312, %dma_start3A_313, %dma_start3A_314] : memref<8x64x128xf32, #tpu.memory_space<vmem>> -> memref<1x64x128xf32, #tpu.memory_space<vmem>>
    %dma_start3A_316 = tpu.memref_squeeze %dma_start3A_315 : memref<1x64x128xf32, #tpu.memory_space<vmem>> -> memref<64x128xf32, #tpu.memory_space<vmem>>
    %dma_start3A_317 = arith.constant 0 : i32
    %dma_start3A_318 = tpu.memref_slice %arg4[%add3A_311, %dma_start3A_317] : memref<16384x128xf32, #tpu.memory_space<hbm>> -> memref<64x128xf32, #tpu.memory_space<hbm>>
    %dma_start3A_319 = arith.constant 0 : i32
    %dma_start3A_320 = tpu.memref_slice %arg4[%add3A_311, %dma_start3A_319] : memref<16384x128xf32, #tpu.memory_space<hbm>> -> memref<64x128xf32, #tpu.memory_space<hbm>>
    %dma_start3A_321 = arith.constant 0 : i32
    %dma_start3A_322 = arith.constant 0 : i32
    %dma_start3A_323 = tpu.memref_slice %arg7[%dma_start3A_312, %dma_start3A_321, %dma_start3A_322] : memref<8x64x128xf32, #tpu.memory_space<vmem>> -> memref<1x64x128xf32, #tpu.memory_space<vmem>>
    %dma_start3A_324 = tpu.memref_squeeze %dma_start3A_323 : memref<1x64x128xf32, #tpu.memory_space<vmem>> -> memref<64x128xf32, #tpu.memory_space<vmem>>
    tpu.enqueue_dma source(%dma_start3A_324 : memref<64x128xf32, #tpu.memory_space<vmem>>) target(%dma_start3A_320 : memref<64x128xf32, #tpu.memory_space<hbm>>) target_semaphore(%arg10 : memref<!tpu.dma_semaphore, #tpu.memory_space<semaphore_mem>>)
    %dma_wait3A_325 = arith.constant 0 : i32
    %dma_wait3A_326 = arith.constant 0 : i32
    %dma_wait3A_327 = arith.constant 0 : i32
    %dma_wait3A_328 = tpu.memref_slice %arg7[%dma_wait3A_325, %dma_wait3A_326, %dma_wait3A_327] : memref<8x64x128xf32, #tpu.memory_space<vmem>> -> memref<1x64x128xf32, #tpu.memory_space<vmem>>
    %dma_wait3A_329 = tpu.memref_squeeze %dma_wait3A_328 : memref<1x64x128xf32, #tpu.memory_space<vmem>> -> memref<64x128xf32, #tpu.memory_space<vmem>>
    %dma_wait3A_330 = arith.constant 0 : i32
    %dma_wait3A_331 = tpu.memref_slice %arg4[%add3A_122, %dma_wait3A_330] : memref<16384x128xf32, #tpu.memory_space<hbm>> -> memref<64x128xf32, #tpu.memory_space<hbm>>
    %dma_wait3A_332 = arith.constant 0 : i32
    %dma_wait3A_333 = tpu.memref_slice %arg4[%add3A_122, %dma_wait3A_332] : memref<16384x128xf32, #tpu.memory_space<hbm>> -> memref<64x128xf32, #tpu.memory_space<hbm>>
    %dma_wait3A_334 = arith.constant 0 : i32
    %dma_wait3A_335 = arith.constant 0 : i32
    %dma_wait3A_336 = tpu.memref_slice %arg7[%dma_wait3A_325, %dma_wait3A_334, %dma_wait3A_335] : memref<8x64x128xf32, #tpu.memory_space<vmem>> -> memref<1x64x128xf32, #tpu.memory_space<vmem>>
    %dma_wait3A_337 = tpu.memref_squeeze %dma_wait3A_336 : memref<1x64x128xf32, #tpu.memory_space<vmem>> -> memref<64x128xf32, #tpu.memory_space<vmem>>
    tpu.wait_dma2 semaphore(%arg10 : memref<!tpu.dma_semaphore, #tpu.memory_space<semaphore_mem>>) src(%dma_wait3A_337 : memref<64x128xf32, #tpu.memory_space<vmem>>) dst(%dma_wait3A_333 : memref<64x128xf32, #tpu.memory_space<hbm>>)
    %dma_wait3A_338 = arith.constant 1 : i32
    %dma_wait3A_339 = arith.constant 0 : i32
    %dma_wait3A_340 = arith.constant 0 : i32
    %dma_wait3A_341 = tpu.memref_slice %arg7[%dma_wait3A_338, %dma_wait3A_339, %dma_wait3A_340] : memref<8x64x128xf32, #tpu.memory_space<vmem>> -> memref<1x64x128xf32, #tpu.memory_space<vmem>>
    %dma_wait3A_342 = tpu.memref_squeeze %dma_wait3A_341 : memref<1x64x128xf32, #tpu.memory_space<vmem>> -> memref<64x128xf32, #tpu.memory_space<vmem>>
    %dma_wait3A_343 = arith.constant 0 : i32
    %dma_wait3A_344 = tpu.memref_slice %arg4[%add3A_149, %dma_wait3A_343] : memref<16384x128xf32, #tpu.memory_space<hbm>> -> memref<64x128xf32, #tpu.memory_space<hbm>>
    %dma_wait3A_345 = arith.constant 0 : i32
    %dma_wait3A_346 = tpu.memref_slice %arg4[%add3A_149, %dma_wait3A_345] : memref<16384x128xf32, #tpu.memory_space<hbm>> -> memref<64x128xf32, #tpu.memory_space<hbm>>
    %dma_wait3A_347 = arith.constant 0 : i32
    %dma_wait3A_348 = arith.constant 0 : i32
    %dma_wait3A_349 = tpu.memref_slice %arg7[%dma_wait3A_338, %dma_wait3A_347, %dma_wait3A_348] : memref<8x64x128xf32, #tpu.memory_space<vmem>> -> memref<1x64x128xf32, #tpu.memory_space<vmem>>
    %dma_wait3A_350 = tpu.memref_squeeze %dma_wait3A_349 : memref<1x64x128xf32, #tpu.memory_space<vmem>> -> memref<64x128xf32, #tpu.memory_space<vmem>>
    tpu.wait_dma2 semaphore(%arg10 : memref<!tpu.dma_semaphore, #tpu.memory_space<semaphore_mem>>) src(%dma_wait3A_350 : memref<64x128xf32, #tpu.memory_space<vmem>>) dst(%dma_wait3A_346 : memref<64x128xf32, #tpu.memory_space<hbm>>)
    %dma_wait3A_351 = arith.constant 2 : i32
    %dma_wait3A_352 = arith.constant 0 : i32
    %dma_wait3A_353 = arith.constant 0 : i32
    %dma_wait3A_354 = tpu.memref_slice %arg7[%dma_wait3A_351, %dma_wait3A_352, %dma_wait3A_353] : memref<8x64x128xf32, #tpu.memory_space<vmem>> -> memref<1x64x128xf32, #tpu.memory_space<vmem>>
    %dma_wait3A_355 = tpu.memref_squeeze %dma_wait3A_354 : memref<1x64x128xf32, #tpu.memory_space<vmem>> -> memref<64x128xf32, #tpu.memory_space<vmem>>
    %dma_wait3A_356 = arith.constant 0 : i32
    %dma_wait3A_357 = tpu.memref_slice %arg4[%add3A_176, %dma_wait3A_356] : memref<16384x128xf32, #tpu.memory_space<hbm>> -> memref<64x128xf32, #tpu.memory_space<hbm>>
    %dma_wait3A_358 = arith.constant 0 : i32
    %dma_wait3A_359 = tpu.memref_slice %arg4[%add3A_176, %dma_wait3A_358] : memref<16384x128xf32, #tpu.memory_space<hbm>> -> memref<64x128xf32, #tpu.memory_space<hbm>>
    %dma_wait3A_360 = arith.constant 0 : i32
    %dma_wait3A_361 = arith.constant 0 : i32
    %dma_wait3A_362 = tpu.memref_slice %arg7[%dma_wait3A_351, %dma_wait3A_360, %dma_wait3A_361] : memref<8x64x128xf32, #tpu.memory_space<vmem>> -> memref<1x64x128xf32, #tpu.memory_space<vmem>>
    %dma_wait3A_363 = tpu.memref_squeeze %dma_wait3A_362 : memref<1x64x128xf32, #tpu.memory_space<vmem>> -> memref<64x128xf32, #tpu.memory_space<vmem>>
    tpu.wait_dma2 semaphore(%arg10 : memref<!tpu.dma_semaphore, #tpu.memory_space<semaphore_mem>>) src(%dma_wait3A_363 : memref<64x128xf32, #tpu.memory_space<vmem>>) dst(%dma_wait3A_359 : memref<64x128xf32, #tpu.memory_space<hbm>>)
    %dma_wait3A_364 = arith.constant 3 : i32
    %dma_wait3A_365 = arith.constant 0 : i32
    %dma_wait3A_366 = arith.constant 0 : i32
    %dma_wait3A_367 = tpu.memref_slice %arg7[%dma_wait3A_364, %dma_wait3A_365, %dma_wait3A_366] : memref<8x64x128xf32, #tpu.memory_space<vmem>> -> memref<1x64x128xf32, #tpu.memory_space<vmem>>
    %dma_wait3A_368 = tpu.memref_squeeze %dma_wait3A_367 : memref<1x64x128xf32, #tpu.memory_space<vmem>> -> memref<64x128xf32, #tpu.memory_space<vmem>>
    %dma_wait3A_369 = arith.constant 0 : i32
    %dma_wait3A_370 = tpu.memref_slice %arg4[%add3A_203, %dma_wait3A_369] : memref<16384x128xf32, #tpu.memory_space<hbm>> -> memref<64x128xf32, #tpu.memory_space<hbm>>
    %dma_wait3A_371 = arith.constant 0 : i32
    %dma_wait3A_372 = tpu.memref_slice %arg4[%add3A_203, %dma_wait3A_371] : memref<16384x128xf32, #tpu.memory_space<hbm>> -> memref<64x128xf32, #tpu.memory_space<hbm>>
    %dma_wait3A_373 = arith.constant 0 : i32
    %dma_wait3A_374 = arith.constant 0 : i32
    %dma_wait3A_375 = tpu.memref_slice %arg7[%dma_wait3A_364, %dma_wait3A_373, %dma_wait3A_374] : memref<8x64x128xf32, #tpu.memory_space<vmem>> -> memref<1x64x128xf32, #tpu.memory_space<vmem>>
    %dma_wait3A_376 = tpu.memref_squeeze %dma_wait3A_375 : memref<1x64x128xf32, #tpu.memory_space<vmem>> -> memref<64x128xf32, #tpu.memory_space<vmem>>
    tpu.wait_dma2 semaphore(%arg10 : memref<!tpu.dma_semaphore, #tpu.memory_space<semaphore_mem>>) src(%dma_wait3A_376 : memref<64x128xf32, #tpu.memory_space<vmem>>) dst(%dma_wait3A_372 : memref<64x128xf32, #tpu.memory_space<hbm>>)
    %dma_wait3A_377 = arith.constant 4 : i32
    %dma_wait3A_378 = arith.constant 0 : i32
    %dma_wait3A_379 = arith.constant 0 : i32
    %dma_wait3A_380 = tpu.memref_slice %arg7[%dma_wait3A_377, %dma_wait3A_378, %dma_wait3A_379] : memref<8x64x128xf32, #tpu.memory_space<vmem>> -> memref<1x64x128xf32, #tpu.memory_space<vmem>>
    %dma_wait3A_381 = tpu.memref_squeeze %dma_wait3A_380 : memref<1x64x128xf32, #tpu.memory_space<vmem>> -> memref<64x128xf32, #tpu.memory_space<vmem>>
    %dma_wait3A_382 = arith.constant 0 : i32
    %dma_wait3A_383 = tpu.memref_slice %arg4[%add3A_230, %dma_wait3A_382] : memref<16384x128xf32, #tpu.memory_space<hbm>> -> memref<64x128xf32, #tpu.memory_space<hbm>>
    %dma_wait3A_384 = arith.constant 0 : i32
    %dma_wait3A_385 = tpu.memref_slice %arg4[%add3A_230, %dma_wait3A_384] : memref<16384x128xf32, #tpu.memory_space<hbm>> -> memref<64x128xf32, #tpu.memory_space<hbm>>
    %dma_wait3A_386 = arith.constant 0 : i32
    %dma_wait3A_387 = arith.constant 0 : i32
    %dma_wait3A_388 = tpu.memref_slice %arg7[%dma_wait3A_377, %dma_wait3A_386, %dma_wait3A_387] : memref<8x64x128xf32, #tpu.memory_space<vmem>> -> memref<1x64x128xf32, #tpu.memory_space<vmem>>
    %dma_wait3A_389 = tpu.memref_squeeze %dma_wait3A_388 : memref<1x64x128xf32, #tpu.memory_space<vmem>> -> memref<64x128xf32, #tpu.memory_space<vmem>>
    tpu.wait_dma2 semaphore(%arg10 : memref<!tpu.dma_semaphore, #tpu.memory_space<semaphore_mem>>) src(%dma_wait3A_389 : memref<64x128xf32, #tpu.memory_space<vmem>>) dst(%dma_wait3A_385 : memref<64x128xf32, #tpu.memory_space<hbm>>)
    %dma_wait3A_390 = arith.constant 5 : i32
    %dma_wait3A_391 = arith.constant 0 : i32
    %dma_wait3A_392 = arith.constant 0 : i32
    %dma_wait3A_393 = tpu.memref_slice %arg7[%dma_wait3A_390, %dma_wait3A_391, %dma_wait3A_392] : memref<8x64x128xf32, #tpu.memory_space<vmem>> -> memref<1x64x128xf32, #tpu.memory_space<vmem>>
    %dma_wait3A_394 = tpu.memref_squeeze %dma_wait3A_393 : memref<1x64x128xf32, #tpu.memory_space<vmem>> -> memref<64x128xf32, #tpu.memory_space<vmem>>
    %dma_wait3A_395 = arith.constant 0 : i32
    %dma_wait3A_396 = tpu.memref_slice %arg4[%add3A_257, %dma_wait3A_395] : memref<16384x128xf32, #tpu.memory_space<hbm>> -> memref<64x128xf32, #tpu.memory_space<hbm>>
    %dma_wait3A_397 = arith.constant 0 : i32
    %dma_wait3A_398 = tpu.memref_slice %arg4[%add3A_257, %dma_wait3A_397] : memref<16384x128xf32, #tpu.memory_space<hbm>> -> memref<64x128xf32, #tpu.memory_space<hbm>>
    %dma_wait3A_399 = arith.constant 0 : i32
    %dma_wait3A_400 = arith.constant 0 : i32
    %dma_wait3A_401 = tpu.memref_slice %arg7[%dma_wait3A_390, %dma_wait3A_399, %dma_wait3A_400] : memref<8x64x128xf32, #tpu.memory_space<vmem>> -> memref<1x64x128xf32, #tpu.memory_space<vmem>>
    %dma_wait3A_402 = tpu.memref_squeeze %dma_wait3A_401 : memref<1x64x128xf32, #tpu.memory_space<vmem>> -> memref<64x128xf32, #tpu.memory_space<vmem>>
    tpu.wait_dma2 semaphore(%arg10 : memref<!tpu.dma_semaphore, #tpu.memory_space<semaphore_mem>>) src(%dma_wait3A_402 : memref<64x128xf32, #tpu.memory_space<vmem>>) dst(%dma_wait3A_398 : memref<64x128xf32, #tpu.memory_space<hbm>>)
    %dma_wait3A_403 = arith.constant 6 : i32
    %dma_wait3A_404 = arith.constant 0 : i32
    %dma_wait3A_405 = arith.constant 0 : i32
    %dma_wait3A_406 = tpu.memref_slice %arg7[%dma_wait3A_403, %dma_wait3A_404, %dma_wait3A_405] : memref<8x64x128xf32, #tpu.memory_space<vmem>> -> memref<1x64x128xf32, #tpu.memory_space<vmem>>
    %dma_wait3A_407 = tpu.memref_squeeze %dma_wait3A_406 : memref<1x64x128xf32, #tpu.memory_space<vmem>> -> memref<64x128xf32, #tpu.memory_space<vmem>>
    %dma_wait3A_408 = arith.constant 0 : i32
    %dma_wait3A_409 = tpu.memref_slice %arg4[%add3A_284, %dma_wait3A_408] : memref<16384x128xf32, #tpu.memory_space<hbm>> -> memref<64x128xf32, #tpu.memory_space<hbm>>
    %dma_wait3A_410 = arith.constant 0 : i32
    %dma_wait3A_411 = tpu.memref_slice %arg4[%add3A_284, %dma_wait3A_410] : memref<16384x128xf32, #tpu.memory_space<hbm>> -> memref<64x128xf32, #tpu.memory_space<hbm>>
    %dma_wait3A_412 = arith.constant 0 : i32
    %dma_wait3A_413 = arith.constant 0 : i32
    %dma_wait3A_414 = tpu.memref_slice %arg7[%dma_wait3A_403, %dma_wait3A_412, %dma_wait3A_413] : memref<8x64x128xf32, #tpu.memory_space<vmem>> -> memref<1x64x128xf32, #tpu.memory_space<vmem>>
    %dma_wait3A_415 = tpu.memref_squeeze %dma_wait3A_414 : memref<1x64x128xf32, #tpu.memory_space<vmem>> -> memref<64x128xf32, #tpu.memory_space<vmem>>
    tpu.wait_dma2 semaphore(%arg10 : memref<!tpu.dma_semaphore, #tpu.memory_space<semaphore_mem>>) src(%dma_wait3A_415 : memref<64x128xf32, #tpu.memory_space<vmem>>) dst(%dma_wait3A_411 : memref<64x128xf32, #tpu.memory_space<hbm>>)
    %dma_wait3A_416 = arith.constant 7 : i32
    %dma_wait3A_417 = arith.constant 0 : i32
    %dma_wait3A_418 = arith.constant 0 : i32
    %dma_wait3A_419 = tpu.memref_slice %arg7[%dma_wait3A_416, %dma_wait3A_417, %dma_wait3A_418] : memref<8x64x128xf32, #tpu.memory_space<vmem>> -> memref<1x64x128xf32, #tpu.memory_space<vmem>>
    %dma_wait3A_420 = tpu.memref_squeeze %dma_wait3A_419 : memref<1x64x128xf32, #tpu.memory_space<vmem>> -> memref<64x128xf32, #tpu.memory_space<vmem>>
    %dma_wait3A_421 = arith.constant 0 : i32
    %dma_wait3A_422 = tpu.memref_slice %arg4[%add3A_311, %dma_wait3A_421] : memref<16384x128xf32, #tpu.memory_space<hbm>> -> memref<64x128xf32, #tpu.memory_space<hbm>>
    %dma_wait3A_423 = arith.constant 0 : i32
    %dma_wait3A_424 = tpu.memref_slice %arg4[%add3A_311, %dma_wait3A_423] : memref<16384x128xf32, #tpu.memory_space<hbm>> -> memref<64x128xf32, #tpu.memory_space<hbm>>
    %dma_wait3A_425 = arith.constant 0 : i32
    %dma_wait3A_426 = arith.constant 0 : i32
    %dma_wait3A_427 = tpu.memref_slice %arg7[%dma_wait3A_416, %dma_wait3A_425, %dma_wait3A_426] : memref<8x64x128xf32, #tpu.memory_space<vmem>> -> memref<1x64x128xf32, #tpu.memory_space<vmem>>
    %dma_wait3A_428 = tpu.memref_squeeze %dma_wait3A_427 : memref<1x64x128xf32, #tpu.memory_space<vmem>> -> memref<64x128xf32, #tpu.memory_space<vmem>>
    tpu.wait_dma2 semaphore(%arg10 : memref<!tpu.dma_semaphore, #tpu.memory_space<semaphore_mem>>) src(%dma_wait3A_428 : memref<64x128xf32, #tpu.memory_space<vmem>>) dst(%dma_wait3A_424 : memref<64x128xf32, #tpu.memory_space<hbm>>)
    return
  }
}

</mosaic_0001>

<sc_bundles>
// kernel: kernel.3.cloned.1.call-start
scs
__scs_entry_jumppad:
0x0: {  	(pc) =	sbr.rel $0x88, $3  }
0x1: {  	(tag) =	ssettag $0x0;
	lr =	simm.s32 $0x1  }
0x2: {  	[smem:$0x3F9F] =	sst lr;
	_ =	strace $0xD0000000  }
0x3: {  	_ = 	snop  }
0x4: {  	_ = 	snop  }
0x5: {  	_ = 	snop  }
0x6: {  	_ = 	snop  }
0x7: {  	_ = 	snop  }
__scs_overlays_trampoline_lowered:
0x8: {  	[smem:$0x3FAE] =	sst s0  }
0x9: {  	[smem:$0x3FAF] =	sst s1  }
0xa: {  	[smem:$0x3FB0] =	sst s2  }
0xb: {  	[smem:$0x3FB1] =	sst s3  }
0xc: {  	[smem:$0x3FB2] =	sst s4  }
0xd: {  	[smem:$0x3FB3] =	sst s5  }
0xe: {  	[smem:$0x3FB4] =	sst s6  }
0xf: {  	[smem:$0x3FB5] =	sst s7  }
0x10: {  	[smem:$0x3FB6] =	sst s8  }
0x11: {  	[smem:$0x3FB7] =	sst s9;
	s0 =	simm.s32 @!p0 $0x0  }
0x12: {  	s1 =	sld [smem:$0x3F9D];
	s0 =	simm.s32 @p0 $0x1  }
0x13: {  	[smem:$0x3FB8] =	sst s0;
	s0 =	simm.s32 @!p1 $0x0  }
0x14: {  	s2 =	sld [smem:$0x3F9C];
	s0 =	simm.s32 @p1 $0x1  }
0x15: {  	[smem:$0x3FB9] =	sst s0;
	s0 =	simm.s32 @!p2 $0x0  }
0x16: {  	s3 =	sld [smem:$0x3FDB];
	s0 =	simm.s32 @p2 $0x1  }
0x17: {  	s4 =	simm.s32 $0x1BF5;
	[smem:$0x3FBB] =	sst s0  }
0x18: {  	s0 =	sld [smem:$0x3F9E];
	_ =	swait.ge [sflag:s4], $0x0  }
0x19: {  	s7 =	sld [smem:$0x3F9F]  }
0x1a: {  	s8 =	sadd.s32 $0xFFFFE003, lr  }
0x1b: {  	s9 =	sadd.s32 $0xFFFFFEF7, lr;
	s5 =	simm.s32 $0xFFFFFFFF;
	p2 =	slt.u32 s8, $0xFFFFF086  }
0x1c: {  	p1 =	slt.u32 s9, $0xF7A;
	s5 =	simm.s32 @!p2 $0x0  }
0x1d: {  	s5 =	simm.s32 @p1 $0x1;
	p0 =	seq.s32 s7, s2  }
0x1e: {  	s7 =	smul.u32 @!p0 $0xF7A, s2;
	p2 =	seq.s32 @!p0 s5, $0x0  }
0x1f: {  	s9 =	smul.u32 $0xF7A, s1;
	s8 =	simm.s32 @!p0 $0x1BF5;
	p2 =	por !p2, p0  }
0x20: {  	[sflag:s8] =	ssyncset.s32 @!p0 $0xFFFFF086;
	s6 =	sadd.s32 @!p0 s3, s7;
	s7 =	simm.s32 @!p0 $0x108  }
0x21: {  	s3 =	sadd.s32 s3, s9;
	s6 =	sadd.s32 @!p0 $0x88, s6;
	s7 =	simm.s32 @p2 $0x1082  }
0x22: {  	[simem:s7], [sflag:s8] =	dma.local @!p0 [hbm:s6], $0xF7A  }
0x23: {  	s9 =	sor.u32 $0xD0000000, s2;
	s6 =	simm.s32 $0x108;
	_ =	swait.ge @!p0 [sflag:s8], $0x0  }
0x24: {  	s3 =	sadd.s32 $0x88, s3;
	s6 =	simm.s32 @!p1 $0x1082;
	[sflag:s4] =	ssyncset.s32 $0xFFFFF086  }
0x25: {  	[simem:s6], [sflag:s4] =	dma.local [hbm:s3], $0xF7A  }
0x26: {  	[smem:$0x3F9F] =	sst s1;
	(tag) =	ssettag s2;
	_ =	strace s9  }
0x27: {  	s1 =	sld [smem:$0x3FAF]  }
0x28: {  	s2 =	sld [smem:$0x3FB0]  }
0x29: {  	s4 =	sld [smem:$0x3FB2]  }
0x2a: {  	p0 =	seq.s32 s5, $0x0;
	s5 =	sld [smem:$0x3FB3]  }
0x2b: {  	s6 =	sld [smem:$0x3FB4]  }
0x2c: {  	s7 =	sld [smem:$0x3FB5]  }
0x2d: {  	s3 =	simm.s32 $0x108;
	s8 =	sld [smem:$0x3FB6]  }
0x2e: {  	s3 =	simm.s32 @!p0 $0x1082;
	s9 =	sld [smem:$0x3FB7]  }
0x2f: {  	lr =	sadd.s32 s0, s3;
	s0 =	sld [smem:$0x3FAE]  }
0x30: {  	s3 =	sld [smem:$0x3FB1]  }
0x31: {  	[smem:$0x3FBA] =	sst s10  }
0x32: {  	s10 =	sld [smem:$0x3FB8];
	_ =	sdelay $0x3  }
0x33: {  	p0 =	seq.s32 s10, $0x1;
	s10 =	sld [smem:$0x3FBA];
	_ =	sdelay $0x3  }
0x34: {  	[smem:$0x3FBA] =	sst s10  }
0x35: {  	s10 =	sld [smem:$0x3FB9];
	_ =	sdelay $0x3  }
0x36: {  	p1 =	seq.s32 s10, $0x1;
	s10 =	sld [smem:$0x3FBA];
	_ =	sdelay $0x3  }
0x37: {  	[smem:$0x3FBA] =	sst s10  }
0x38: {  	s10 =	sld [smem:$0x3FBB]  }
0x39: {  	_ = 	snop;
	(pc) =	sbr.ind lr, $3  }
0x3a: {  	_ = 	snop  }
0x3b: {  	_ = 	snop  }
0x3c: {  	p2 =	seq.s32 s10, $0x1;
	s10 =	sld [smem:$0x3FBA]  }
0x3d: {  	_ =	shalt  }
0x3e: {  	_ =	shalt  }
0x3f: {  	_ =	shalt  }
0x40: {  	_ =	shalt  }
0x41: {  	_ =	shalt  }
0x42: {  	_ =	shalt  }
0x43: {  	_ =	shalt  }
0x44: {  	_ =	shalt  }
0x45: {  	_ =	shalt  }
0x46: {  	_ =	shalt  }
0x47: {  	_ =	shalt  }
0x48: {  	_ =	shalt  }
0x49: {  	_ =	shalt  }
0x4a: {  	_ =	shalt  }
0x4b: {  	_ =	shalt  }
0x4c: {  	_ =	shalt  }
0x4d: {  	_ =	shalt  }
0x4e: {  	_ =	shalt  }
0x4f: {  	_ =	shalt  }
0x50: {  	_ =	shalt  }
0x51: {  	_ =	shalt  }
0x52: {  	_ =	shalt  }
0x53: {  	_ =	shalt  }
0x54: {  	_ =	shalt  }
0x55: {  	_ =	shalt  }
0x56: {  	_ =	shalt  }
0x57: {  	_ =	shalt  }
0x58: {  	_ =	shalt  }
0x59: {  	_ =	shalt  }
0x5a: {  	_ =	shalt  }
0x5b: {  	_ =	shalt  }
0x5c: {  	_ =	shalt  }
0x5d: {  	_ =	shalt  }
0x5e: {  	_ =	shalt  }
0x5f: {  	_ =	shalt  }
0x60: {  	_ =	shalt  }
0x61: {  	_ =	shalt  }
0x62: {  	_ =	shalt  }
0x63: {  	_ =	shalt  }
0x64: {  	_ =	shalt  }
0x65: {  	_ =	shalt  }
0x66: {  	_ =	shalt  }
0x67: {  	_ =	shalt  }
0x68: {  	_ =	shalt  }
0x69: {  	_ =	shalt  }
0x6a: {  	_ =	shalt  }
0x6b: {  	_ =	shalt  }
0x6c: {  	_ =	shalt  }
0x6d: {  	_ =	shalt  }
0x6e: {  	_ =	shalt  }
0x6f: {  	_ =	shalt  }
0x70: {  	_ =	shalt  }
0x71: {  	_ =	shalt  }
0x72: {  	_ =	shalt  }
0x73: {  	_ =	shalt  }
0x74: {  	_ =	shalt  }
0x75: {  	_ =	shalt  }
0x76: {  	_ =	shalt  }
0x77: {  	_ =	shalt  }
0x78: {  	_ =	shalt  }
0x79: {  	_ =	shalt  }
0x7a: {  	_ =	shalt  }
0x7b: {  	_ =	shalt  }
0x7c: {  	_ =	shalt  }
0x7d: {  	_ =	shalt  }
0x7e: {  	_ =	shalt  }
0x7f: {  	_ =	shalt  }
0x80: {  	_ =	shalt  }
0x81: {  	_ =	shalt  }
0x82: {  	_ =	shalt  }
0x83: {  	_ =	shalt  }
0x84: {  	_ =	shalt  }
0x85: {  	_ =	shalt  }
0x86: {  	_ =	shalt  }
0x87: {  	_ =	shalt  }
.Lfunc_end0:
.L_simem_size_0:
called_computation_lowered:
.L_overlay_start_0:
0x88: {  	s2 =	sld [smem:$0x3FD9]  }
0x89: {  	s3 =	sld [smem:$0x3FFE];
	_ =	sdelay $0x1  }
0x8a: {  	s1 =	srdreg.scid  }
0x8b: {  	s0 =	sand.u32 $0x1, s1  }
0x8c: {  	s17 =	sshll.u32 s0, $0xA;
	s2 =	sadd.s32 s3, s2  }
0x8d: {  	s2 =	sadd.s32 s2, s17  }
0x8e: {  	[smem:$0x3FC6] =	sst s2  }
0x8f: {  	_ = 	snop  }
0x90: {  	s2 =	sld [smem:$0x3FC8]  }
0x91: {  	s18 =	sld [smem:$0x3FD0];
	(tm) =	ssettm $0x1  }
0x92: {  	s4 =	sld [smem:$0x3FFB];
	_ =	sdelay $0x3  }
0x93: {  	_ =	strace s4  }
0x94: {  	s4 =	sld [smem:$0x3FFC];
	_ =	sdelay $0x3  }
0x95: {  	_ =	strace s4  }
0x96: {  	s4 =	sld [smem:$0x3FFD];
	_ =	sdelay $0x3  }
0x97: {  	_ =	strace s4  }
0x98: {  	_ =	strace $0x8FFFFFFF  }
0x99: {  	s19 =	sld [smem:$0x3FDB];
	_ =	sdelay $0x1  }
0x9a: {  	s5 =	simm.s32 $_scs_section_size  }
0x9b: {  	s6 =	simm.s32 $_size__tile_overlayer_lowered;
	s7 =	simm.s32 $_tile_overlayer_lowered  }
0x9c: {  	s22 =	simm.s32 $0x1BFF;
	s21 =	sshll.u32 s7, $0x1;
	s4 =	sadd.s32 s5, s19  }
0x9d: {  	s8 =	simm.s32 $0x0;
	s20 =	sshll.u32 s6, $0x1;
	s6 =	sadd.s32 s21, s4  }
0x9e: {  	[timem:s8], [sflag:s22] =	dma.local [hbm:s6], s20  }
0x9f: {  	_ =	swait.ge [sflag:s22], s20  }
0xa0: {  	s5 =	ssub.s32 $0x0, s20;
	[sflag:s22] =	ssyncset.done $0x0  }
0xa1: {  	[sflag:s22] =	ssyncadd.s32 s5;
	_ =	sdelay $0x1  }
0xa2: {  	s23 =	simm.s32 $0x1B8B  }
0xa3: {  	_ =	swait.ge [sflag:s23], $0x1  }
0xa4: {  	[sflag:s23] =	ssyncset.done $0x0  }
0xa5: {  	s25 =	simm.s32 $0x1B8E;
	s24 =	sld [smem:$0x3FFE];
	[sflag:s23] =	ssyncadd.s32 $0xFFFFFFFF  }
0xa6: {  	s26 =	simm.s32 $execute0_lowered;
	[smem:$0x3FD2] =	sst s25  }
0xa7: {  	s6 =	sshll.u32 s26, $0x1;
	_ =	strace $0x80000046;
	[dreg:$0x1] =	wrdreg $0xFFFFFFFF  }
0xa8: {  	s28 =	simm.s32 $_size_execute0_lowered;
	s4 =	sadd.s32 s4, s6;
	[dreg:$0x0] =	wrdreg $0x0  }
0xa9: {  	s6 =	sshll.u32 s28, $0x1;
	[dreg:$0x2] =	wrdreg s4  }
0xaa: {  	[dreg:$0x3] =	wrdreg s6  }
0xab: {  	[dreg:$0x4] =	wrdreg $0xC0  }
0xac: {  	_ =	task [dreg:s8], $0x5FFFF  }
0xad: {  	[dreg:$0x1] =	wrdreg $0xFFFFFFFF  }
0xae: {  	[dreg:$0x0] =	wrdreg $0x60  }
0xaf: {  	[dreg:$0x2] =	wrdreg s24  }
0xb0: {  	[dreg:$0x3] =	wrdreg s2  }
0xb1: {  	[dreg:$0x4] =	wrdreg s18  }
0xb2: {  	[dreg:$0x5] =	wrdreg $0x4000  }
0xb3: {  	[dreg:$0x6] =	wrdreg $0x9  }
0xb4: {  	_ =	task.clear_ibuf [dreg:s8], $0x7FFFF;
	_ =	strace $0x90000046  }
0xb5: {  	s29 =	simm.s32 $0x9;
	_ =	strace $0x80000048  }
0xb6: {  	_ =	swait.ge [sflag:s29], $0x1  }
0xb7: {  	[sflag:s29] =	ssyncadd.s32 $0xFFFFFFFF  }
0xb8: {  	_ =	strace $0x90000048  }
0xb9: {  	_ =	sfence  }
0xba: {  	s30 =	sld [smem:$0x0];
	_ =	sdelay $0x2  }
0xbb: {  	s31 =	sshll.u32 s1, $0xD;
	s1 =	sshrl.u32 s1, $0x2  }
0xbc: {  	s3 =	sand.u32 $0x4000, s31;
	s1 =	sadd.s32 s1, s30  }
0xbd: {  	s0 =	sor.u32 s3, s0;
	s1 =	sshll.u32 s1, $0x11  }
0xbe: {  	s0 =	sor.u32 s1, s0  }
0xbf: {  	s0 =	sadd.s32 $0x8F2B, s0  }
0xc0: {  	[sflag:s0] =	ssyncadd.remote.s32 $0x1  }
0xc1: {  	_ =	sfence.sel $0xFFFF  }
0xc2: {  	[dreg:$0x0] =	wrdreg $0xFFFFFFFF;
	(pc) =	sbr.abs _section_cstart, $3  }
0xc3: {  	[dreg:$0x1] =	wrdreg $0xFFFFFFFF  }
0xc4: {  	_ =	task.clear_ibuf [dreg:s8], $0x2FFFF;
	_ =	strace $0x9FFFFFFF  }
0xc5: {  	(tm) =	ssettm $0x7FFFFFFF  }
tec
execute0_lowered:
.L_overlay_start_1:
0x0: {  	(tag) =	ssettag $0x1  }
0x1: {  	s0 =	rddreg [dreg:$0x0]  }
0x2: {  	s1 =	rddreg [dreg:$0x1]  }
0x3: {  	s2 =	rddreg [dreg:$0x2]  }
0x4: {  	s22 =	srdreg.scid;
	s7 =	rddreg [dreg:$0x3]  }
0x5: {  	s3 =	stileid.u32;
	s29 =	rddreg [dreg:$0x4];
	s19 =	simm.s32 $0x1  }
0x6: {  	s18 =	simm.s32 $0x40;
	s17 =	simm.s32 $0x420;
	s16 =	simm.s32 $0x2420  }
0x7: {  	s21 =	simm.s32 $0x100;
	s15 =	simm.s32 $0x4420;
	s14 =	simm.s32 $0x6420  }
0x8: {  	s13 =	simm.s32 $0x8420;
	s11 =	simm.s32 $0xA420;
	s28 =	simm.s32 $0x380  }
0x9: {  	p1 =	por $0x0, $0x0;
	s10 =	simm.s32 $0xE420;
	s12 =	simm.s32 $0x2  }
0xa: {  	[dreg:$0x5] =	wrdreg s1;
	s4 =	sand.u32 $0x1, s22;
	s23 =	sshll.u32 s3, $0x1  }
0xb: {  	s1 =	simm.s32 $0x0;
	p0 =	sne.s32 s3, $0x0;
	s22 =	simm.s32 $0x180  }
0xc: {  	s3 =	simm.s32 $0x3;
	s5 =	sor.u32 s4, s23;
	s25 =	ssub.s32 $0x2, s4  }
0xd: {  	[smem:$0x7FF] =	sst s1;
	s23 =	simm.s32 $0x200;
	s4 =	sshrl.u32 s25, $0x1  }
0xe: {  	s6 =	sshll.u32 s5, $0x7;
	s5 =	sshll.u32 s5, $0xD;
	s9 =	ssub.s32 s25, s4  }
0xf: {  	_ =	strace $0x80000047;
	s0 =	sadd.s32 s6, s0;
	s31 =	smax.u32 s9, $0x1  }
0x10: {  	s8 =	sadd.s32 s2, s5;
	s25 =	simm.s32 $0x300;
	s20 =	sadd.s32 $0xFFFFFFFF, s31  }
0x11: {  	s0 =	sadd.s32 $0x400, s0;
	s24 =	sadd.s32 $0x400, s8;
	p2 =	sne.s32 s20, $0x0  }
.Ltmp0:
0x12: {  	s26 =	sadd.s32 $0x800, s8;
	[dreg:$0x6] =	wrdreg s0;
	(pc) =	sbr.rel @!p2 .LBB2_1-.Ltmp0, $4  }
0x13: {  	s30 =	sadd.s32 $0xC00, s8;
	s6 =	sadd.s32 $0x1000, s8;
	[dreg:$0x7] =	wrdreg s24  }
0x14: {  	s5 =	sadd.s32 $0x1400, s8;
	s4 =	sadd.s32 $0x1800, s8;
	[dreg:$0x8] =	wrdreg s26  }
0x15: {  	s2 =	sadd.s32 $0x1C00, s8;
	s9 =	simm.s32 $0xC420;
	[dreg:$0x9] =	wrdreg s30  }
0x16: {  	s26 =	sshrl.u32 @!p0 s7, $0x3;
	s24 =	simm.s32 $0x280;
	s0 =	rddreg [dreg:$0x6]  }
0x17: {  	[tilespmem:s1], [sflag:$0x1] =	stream.linear.gather [hbm4b:s0+s1], $0x400, $0x38;
	[tilespmem:$0x10420] =	vst v63  }
0x18: {  	s31 =	rddreg [dreg:$0x5];
	s29 =	simm.s32 @!p0 $0x1C04;
	s30 =	simm.s32 @!p0 $0x4  }
0x19: {  	[spmem:s26], [sflag:s29] =	dma.local @!p0 [hbm:s31], $0x40  }
0x1a: {  	_ =	swait.ge @!p0 [sflag:s30], $0x40  }
0x1b: {  	[sflag:s30] =	ssyncset.done @!p0 $0x0  }
0x1c: {  	[sflag:s30] =	ssyncadd.s32 @!p0 $0xFFFFFFC0  }
0x1d: {  	_ =	swait.ge [sflag:s19], $0x400  }
0x1e: {  	[sflag:s19] =	ssyncset.done $0x0  }
0x1f: {  	[sflag:s19] =	ssyncadd.s32 $0xFFFFFC00  }
0x20: {  	[bflag:$0x0] =	sbarrier.arrive $0xFFFF  }
0x21: {  	[tilespmem:s17], [sflag:$0x2] =	stream.indirect.gather [spmem:s7], $0x80, s1, s18, $0xb8;
	[tilespmem:$0x10420] =	vst v63  }
0x22: {  	s0 =	simm.s32 $0x80  }
0x23: {  	[tilespmem:s16], [sflag:$0x2] =	stream.indirect.gather [spmem:s7], $0x80, s0, s18, $0xb8;
	[tilespmem:$0x10420] =	vst v63  }
0x24: {  	_ = 	snop  }
0x25: {  	[tilespmem:s15], [sflag:$0x2] =	stream.indirect.gather [spmem:s7], $0x80, s21, s18, $0xb8;
	[tilespmem:$0x10420] =	vst v63  }
0x26: {  	_ = 	snop  }
0x27: {  	[tilespmem:s14], [sflag:$0x2] =	stream.indirect.gather [spmem:s7], $0x80, s22, s18, $0xb8;
	[tilespmem:$0x10420] =	vst v63  }
0x28: {  	_ = 	snop  }
0x29: {  	[tilespmem:s13], [sflag:$0x2] =	stream.indirect.gather [spmem:s7], $0x80, s23, s18, $0xb8;
	[tilespmem:$0x10420] =	vst v63  }
0x2a: {  	_ = 	snop  }
0x2b: {  	[tilespmem:s11], [sflag:$0x2] =	stream.indirect.gather [spmem:s7], $0x80, s24, s18, $0xb8;
	[tilespmem:$0x10420] =	vst v63  }
0x2c: {  	_ = 	snop  }
0x2d: {  	[tilespmem:s9], [sflag:$0x2] =	stream.indirect.gather [spmem:s7], $0x80, s25, s18, $0xb8;
	[tilespmem:$0x10420] =	vst v63  }
0x2e: {  	_ = 	snop  }
0x2f: {  	[tilespmem:s10], [sflag:$0x2] =	stream.indirect.gather [spmem:s7], $0x80, s28, s18, $0xb8;
	[tilespmem:$0x10420] =	vst v63  }
0x30: {  	_ =	swait.ge [sflag:s12], $0x2000  }
0x31: {  	[sflag:s12] =	ssyncset.done $0x0  }
0x32: {  	[sflag:s12] =	ssyncadd.s32 $0xFFFFE000  }
0x33: {  	[hbm4b:s8+s1] =	stream.linear.scatter [tilespmem:s17], [sflag:$0x3], $0x2000, $0x38;
	[tilespmem:$0x10420] =	vst v63  }
0x34: {  	_ =	swait.ge [sflag:s12], $0x2000  }
0x35: {  	[sflag:s12] =	ssyncset.done $0x0  }
0x36: {  	s0 =	rddreg [dreg:$0x7];
	[sflag:s12] =	ssyncadd.s32 $0xFFFFE000  }
0x37: {  	[hbm4b:s0+s1] =	stream.linear.scatter [tilespmem:s16], [sflag:$0x3], $0x2000, $0x38;
	[tilespmem:$0x10420] =	vst v63  }
0x38: {  	_ =	swait.ge [sflag:s12], $0x2000  }
0x39: {  	[sflag:s12] =	ssyncset.done $0x0  }
0x3a: {  	s0 =	rddreg [dreg:$0x8];
	[sflag:s12] =	ssyncadd.s32 $0xFFFFE000  }
0x3b: {  	[hbm4b:s0+s1] =	stream.linear.scatter [tilespmem:s15], [sflag:$0x3], $0x2000, $0x38;
	[tilespmem:$0x10420] =	vst v63  }
0x3c: {  	_ =	swait.ge [sflag:s12], $0x2000  }
0x3d: {  	[sflag:s12] =	ssyncset.done $0x0  }
0x3e: {  	s0 =	rddreg [dreg:$0x9];
	[sflag:s12] =	ssyncadd.s32 $0xFFFFE000  }
0x3f: {  	[hbm4b:s0+s1] =	stream.linear.scatter [tilespmem:s14], [sflag:$0x3], $0x2000, $0x38;
	[tilespmem:$0x10420] =	vst v63  }
0x40: {  	_ =	swait.ge [sflag:s12], $0x2000  }
0x41: {  	[sflag:s12] =	ssyncset.done $0x0  }
0x42: {  	[sflag:s12] =	ssyncadd.s32 $0xFFFFE000  }
0x43: {  	[hbm4b:s6+s1] =	stream.linear.scatter [tilespmem:s13], [sflag:$0x3], $0x2000, $0x38;
	[tilespmem:$0x10420] =	vst v63  }
0x44: {  	_ =	swait.ge [sflag:s12], $0x2000  }
0x45: {  	[sflag:s12] =	ssyncset.done $0x0  }
0x46: {  	[sflag:s12] =	ssyncadd.s32 $0xFFFFE000  }
0x47: {  	[hbm4b:s5+s1] =	stream.linear.scatter [tilespmem:s11], [sflag:$0x3], $0x2000, $0x38;
	[tilespmem:$0x10420] =	vst v63  }
0x48: {  	_ =	swait.ge [sflag:s12], $0x2000  }
0x49: {  	[sflag:s12] =	ssyncset.done $0x0  }
0x4a: {  	[sflag:s12] =	ssyncadd.s32 $0xFFFFE000  }
0x4b: {  	[hbm4b:s4+s1] =	stream.linear.scatter [tilespmem:s9], [sflag:$0x3], $0x2000, $0x38;
	[tilespmem:$0x10420] =	vst v63  }
0x4c: {  	_ =	swait.ge [sflag:s12], $0x2000  }
0x4d: {  	[sflag:s12] =	ssyncset.done $0x0  }
0x4e: {  	[sflag:s12] =	ssyncadd.s32 $0xFFFFE000  }
0x4f: {  	[hbm4b:s2+s1] =	stream.linear.scatter [tilespmem:s10], [sflag:$0x3], $0x2000, $0x38;
	[tilespmem:$0x10420] =	vst v63  }
0x50: {  	_ =	swait.ge [sflag:s3], $0x2000  }
0x51: {  	[sflag:s3] =	ssyncset.done $0x0  }
0x52: {  	[sflag:s3] =	ssyncadd.s32 $0xFFFFE000  }
0x53: {  	_ =	swait.ge [sflag:s3], $0x2000  }
0x54: {  	[sflag:s3] =	ssyncset.done $0x0  }
0x55: {  	[sflag:s3] =	ssyncadd.s32 $0xFFFFE000  }
0x56: {  	_ =	swait.ge [sflag:s3], $0x2000  }
0x57: {  	[sflag:s3] =	ssyncset.done $0x0  }
0x58: {  	[sflag:s3] =	ssyncadd.s32 $0xFFFFE000  }
0x59: {  	_ =	swait.ge [sflag:s3], $0x2000  }
0x5a: {  	[sflag:s3] =	ssyncset.done $0x0  }
0x5b: {  	[sflag:s3] =	ssyncadd.s32 $0xFFFFE000  }
0x5c: {  	_ =	swait.ge [sflag:s3], $0x2000  }
0x5d: {  	[sflag:s3] =	ssyncset.done $0x0  }
0x5e: {  	[sflag:s3] =	ssyncadd.s32 $0xFFFFE000  }
0x5f: {  	_ =	swait.ge [sflag:s3], $0x2000  }
0x60: {  	s31 =	sadd.s32 $0xFFFFFFFF, s20;
	[sflag:s3] =	ssyncset.done $0x0  }
0x61: {  	p2 =	sne.s32 s31, $0x0;
	[sflag:s3] =	ssyncadd.s32 $0xFFFFE000  }
.Ltmp1:
0x62: {  	_ =	swait.ge [sflag:s3], $0x2000;
	(pc) =	sbr.rel @!p2 .LBB2_3-.Ltmp1, $4  }
0x63: {  	[sflag:s3] =	ssyncset.done $0x0  }
0x64: {  	[sflag:s3] =	ssyncadd.s32 $0xFFFFE000  }
0x65: {  	_ =	swait.ge [sflag:s3], $0x2000  }
0x66: {  	p1 =	por $0x1, $0x1;
	s0 =	rddreg [dreg:$0x6];
	[sflag:s3] =	ssyncset.done $0x0  }
.LBB2_4:
0x67: {  	s20 =	rddreg [dreg:$0x5];
	[sflag:s3] =	ssyncadd.s32 $0xFFFFE000  }
0x68: {  	[tilespmem:s1], [sflag:$0x1] =	stream.linear.gather [hbm4b:s0+s1], $0x400, $0x38;
	[tilespmem:$0x10420] =	vst v63  }
0x69: {  	[spmem:s26], [sflag:s29] =	dma.local @!p0 [hbm:s20], $0x40  }
0x6a: {  	_ =	swait.ge @!p0 [sflag:s30], $0x40  }
0x6b: {  	[sflag:s30] =	ssyncset.done @!p0 $0x0  }
0x6c: {  	[sflag:s30] =	ssyncadd.s32 @!p0 $0xFFFFFFC0  }
0x6d: {  	_ =	swait.ge [sflag:s19], $0x400  }
0x6e: {  	[sflag:s19] =	ssyncset.done $0x0  }
0x6f: {  	[sflag:s19] =	ssyncadd.s32 $0xFFFFFC00  }
0x70: {  	[bflag:$0x0] =	sbarrier.arrive $0xFFFF  }
0x71: {  	[tilespmem:s17], [sflag:$0x2] =	stream.indirect.gather [spmem:s7], $0x80, s1, s18, $0xb8;
	[tilespmem:$0x10420] =	vst v63  }
0x72: {  	s20 =	simm.s32 $0x80  }
0x73: {  	[tilespmem:s16], [sflag:$0x2] =	stream.indirect.gather [spmem:s7], $0x80, s20, s18, $0xb8;
	[tilespmem:$0x10420] =	vst v63  }
0x74: {  	_ = 	snop  }
0x75: {  	[tilespmem:s15], [sflag:$0x2] =	stream.indirect.gather [spmem:s7], $0x80, s21, s18, $0xb8;
	[tilespmem:$0x10420] =	vst v63  }
0x76: {  	_ = 	snop  }
0x77: {  	[tilespmem:s14], [sflag:$0x2] =	stream.indirect.gather [spmem:s7], $0x80, s22, s18, $0xb8;
	[tilespmem:$0x10420] =	vst v63  }
0x78: {  	_ = 	snop  }
0x79: {  	[tilespmem:s13], [sflag:$0x2] =	stream.indirect.gather [spmem:s7], $0x80, s23, s18, $0xb8;
	[tilespmem:$0x10420] =	vst v63  }
0x7a: {  	_ = 	snop  }
0x7b: {  	[tilespmem:s11], [sflag:$0x2] =	stream.indirect.gather [spmem:s7], $0x80, s24, s18, $0xb8;
	[tilespmem:$0x10420] =	vst v63  }
0x7c: {  	_ = 	snop  }
0x7d: {  	[tilespmem:s9], [sflag:$0x2] =	stream.indirect.gather [spmem:s7], $0x80, s25, s18, $0xb8;
	[tilespmem:$0x10420] =	vst v63  }
0x7e: {  	_ = 	snop  }
0x7f: {  	[tilespmem:s10], [sflag:$0x2] =	stream.indirect.gather [spmem:s7], $0x80, s28, s18, $0xb8;
	[tilespmem:$0x10420] =	vst v63  }
0x80: {  	_ =	swait.ge [sflag:s12], $0x2000  }
0x81: {  	[sflag:s12] =	ssyncset.done $0x0  }
0x82: {  	[sflag:s12] =	ssyncadd.s32 $0xFFFFE000  }
0x83: {  	[hbm4b:s8+s1] =	stream.linear.scatter [tilespmem:s17], [sflag:$0x3], $0x2000, $0x38;
	[tilespmem:$0x10420] =	vst v63  }
0x84: {  	_ =	swait.ge [sflag:s12], $0x2000  }
0x85: {  	[sflag:s12] =	ssyncset.done $0x0  }
0x86: {  	s20 =	rddreg [dreg:$0x7];
	[sflag:s12] =	ssyncadd.s32 $0xFFFFE000  }
0x87: {  	[hbm4b:s20+s1] =	stream.linear.scatter [tilespmem:s16], [sflag:$0x3], $0x2000, $0x38;
	[tilespmem:$0x10420] =	vst v63  }
0x88: {  	_ =	swait.ge [sflag:s12], $0x2000  }
0x89: {  	[sflag:s12] =	ssyncset.done $0x0  }
0x8a: {  	s20 =	rddreg [dreg:$0x8];
	[sflag:s12] =	ssyncadd.s32 $0xFFFFE000  }
0x8b: {  	[hbm4b:s20+s1] =	stream.linear.scatter [tilespmem:s15], [sflag:$0x3], $0x2000, $0x38;
	[tilespmem:$0x10420] =	vst v63  }
0x8c: {  	_ =	swait.ge [sflag:s12], $0x2000  }
0x8d: {  	[sflag:s12] =	ssyncset.done $0x0  }
0x8e: {  	s20 =	rddreg [dreg:$0x9];
	[sflag:s12] =	ssyncadd.s32 $0xFFFFE000  }
0x8f: {  	[hbm4b:s20+s1] =	stream.linear.scatter [tilespmem:s14], [sflag:$0x3], $0x2000, $0x38;
	[tilespmem:$0x10420] =	vst v63  }
0x90: {  	_ =	swait.ge [sflag:s12], $0x2000  }
0x91: {  	[sflag:s12] =	ssyncset.done $0x0  }
0x92: {  	[sflag:s12] =	ssyncadd.s32 $0xFFFFE000  }
0x93: {  	[hbm4b:s6+s1] =	stream.linear.scatter [tilespmem:s13], [sflag:$0x3], $0x2000, $0x38;
	[tilespmem:$0x10420] =	vst v63  }
0x94: {  	_ =	swait.ge [sflag:s12], $0x2000  }
0x95: {  	[sflag:s12] =	ssyncset.done $0x0  }
0x96: {  	[sflag:s12] =	ssyncadd.s32 $0xFFFFE000  }
0x97: {  	[hbm4b:s5+s1] =	stream.linear.scatter [tilespmem:s11], [sflag:$0x3], $0x2000, $0x38;
	[tilespmem:$0x10420] =	vst v63  }
0x98: {  	_ =	swait.ge [sflag:s12], $0x2000  }
0x99: {  	[sflag:s12] =	ssyncset.done $0x0  }
0x9a: {  	[sflag:s12] =	ssyncadd.s32 $0xFFFFE000  }
0x9b: {  	[hbm4b:s4+s1] =	stream.linear.scatter [tilespmem:s9], [sflag:$0x3], $0x2000, $0x38;
	[tilespmem:$0x10420] =	vst v63  }
0x9c: {  	_ =	swait.ge [sflag:s12], $0x2000  }
0x9d: {  	[sflag:s12] =	ssyncset.done $0x0  }
0x9e: {  	[sflag:s12] =	ssyncadd.s32 $0xFFFFE000  }
0x9f: {  	[hbm4b:s2+s1] =	stream.linear.scatter [tilespmem:s10], [sflag:$0x3], $0x2000, $0x38;
	[tilespmem:$0x10420] =	vst v63  }
0xa0: {  	_ =	swait.ge [sflag:s3], $0x2000  }
0xa1: {  	[sflag:s3] =	ssyncset.done $0x0  }
0xa2: {  	[sflag:s3] =	ssyncadd.s32 $0xFFFFE000  }
0xa3: {  	_ =	swait.ge [sflag:s3], $0x2000  }
0xa4: {  	[sflag:s3] =	ssyncset.done $0x0  }
0xa5: {  	[sflag:s3] =	ssyncadd.s32 $0xFFFFE000  }
0xa6: {  	_ =	swait.ge [sflag:s3], $0x2000  }
0xa7: {  	[sflag:s3] =	ssyncset.done $0x0  }
0xa8: {  	[sflag:s3] =	ssyncadd.s32 $0xFFFFE000  }
0xa9: {  	_ =	swait.ge [sflag:s3], $0x2000  }
0xaa: {  	[sflag:s3] =	ssyncset.done $0x0  }
0xab: {  	[sflag:s3] =	ssyncadd.s32 $0xFFFFE000  }
0xac: {  	_ =	swait.ge [sflag:s3], $0x2000  }
0xad: {  	[sflag:s3] =	ssyncset.done $0x0  }
0xae: {  	[sflag:s3] =	ssyncadd.s32 $0xFFFFE000  }
0xaf: {  	_ =	swait.ge [sflag:s3], $0x2000  }
0xb0: {  	s31 =	sadd.s32 $0xFFFFFFFF, s31;
	[sflag:s3] =	ssyncset.done $0x0  }
0xb1: {  	p2 =	sne.s32 s31, $0x0;
	[sflag:s3] =	ssyncadd.s32 $0xFFFFE000  }
.Ltmp2:
0xb2: {  	_ =	swait.ge [sflag:s3], $0x2000;
	(pc) =	sbr.rel @p2 .LBB2_4-.Ltmp2, $4  }
0xb3: {  	[sflag:s3] =	ssyncset.done $0x0  }
0xb4: {  	[sflag:s3] =	ssyncadd.s32 $0xFFFFE000  }
0xb5: {  	_ =	swait.ge [sflag:s3], $0x2000  }
0xb6: {  	s0 =	rddreg [dreg:$0x6];
	[sflag:s3] =	ssyncset.done $0x0  }
0xb7: {  	s30 =	simm.s32 $0x80;
	s29 =	rddreg [dreg:$0x4]  }
.LBB2_6:
0xb8: {  	[sflag:s3] =	ssyncadd.s32 @p1 $0xFFFFE000  }
0xb9: {  	[tilespmem:s1], [sflag:$0x1] =	stream.linear.gather [hbm4b:s0+s1], $0x400, $0x38;
	[tilespmem:$0x10420] =	vst v63  }
0xba: {  	s20 =	rddreg [dreg:$0x5];
	s0 =	simm.s32 @!p0 $0x1C04  }
0xbb: {  	[spmem:s26], [sflag:s0] =	dma.local @!p0 [hbm:s20], $0x40  }
0xbc: {  	s0 =	simm.s32 @!p0 $0x4  }
0xbd: {  	_ =	swait.ge @!p0 [sflag:s0], $0x40  }
0xbe: {  	[sflag:s0] =	ssyncset.done @!p0 $0x0  }
0xbf: {  	[sflag:s0] =	ssyncadd.s32 @!p0 $0xFFFFFFC0  }
0xc0: {  	_ =	swait.ge [sflag:s19], $0x400  }
0xc1: {  	[sflag:s19] =	ssyncset.done $0x0  }
0xc2: {  	[sflag:s19] =	ssyncadd.s32 $0xFFFFFC00  }
0xc3: {  	[bflag:$0x0] =	sbarrier.arrive $0xFFFF  }
0xc4: {  	[tilespmem:s17], [sflag:$0x2] =	stream.indirect.gather [spmem:s7], $0x80, s1, s18, $0xb8;
	[tilespmem:$0x10420] =	vst v63  }
0xc5: {  	_ = 	snop  }
0xc6: {  	[tilespmem:s16], [sflag:$0x2] =	stream.indirect.gather [spmem:s7], $0x80, s30, s18, $0xb8;
	[tilespmem:$0x10420] =	vst v63  }
0xc7: {  	_ = 	snop  }
0xc8: {  	[tilespmem:s15], [sflag:$0x2] =	stream.indirect.gather [spmem:s7], $0x80, s21, s18, $0xb8;
	[tilespmem:$0x10420] =	vst v63  }
0xc9: {  	_ = 	snop  }
0xca: {  	[tilespmem:s14], [sflag:$0x2] =	stream.indirect.gather [spmem:s7], $0x80, s22, s18, $0xb8;
	[tilespmem:$0x10420] =	vst v63  }
0xcb: {  	_ = 	snop  }
0xcc: {  	[tilespmem:s13], [sflag:$0x2] =	stream.indirect.gather [spmem:s7], $0x80, s23, s18, $0xb8;
	[tilespmem:$0x10420] =	vst v63  }
0xcd: {  	_ = 	snop  }
0xce: {  	[tilespmem:s11], [sflag:$0x2] =	stream.indirect.gather [spmem:s7], $0x80, s24, s18, $0xb8;
	[tilespmem:$0x10420] =	vst v63  }
0xcf: {  	_ = 	snop  }
0xd0: {  	[tilespmem:s9], [sflag:$0x2] =	stream.indirect.gather [spmem:s7], $0x80, s25, s18, $0xb8;
	[tilespmem:$0x10420] =	vst v63  }
0xd1: {  	_ = 	snop  }
0xd2: {  	[tilespmem:s10], [sflag:$0x2] =	stream.indirect.gather [spmem:s7], $0x80, s28, s18, $0xb8;
	[tilespmem:$0x10420] =	vst v63  }
0xd3: {  	_ =	swait.ge [sflag:s12], $0x2000  }
0xd4: {  	[sflag:s12] =	ssyncset.done $0x0  }
0xd5: {  	[sflag:s12] =	ssyncadd.s32 $0xFFFFE000  }
0xd6: {  	[hbm4b:s8+s1] =	stream.linear.scatter [tilespmem:s17], [sflag:$0x3], $0x2000, $0x38;
	[tilespmem:$0x10420] =	vst v63  }
0xd7: {  	_ =	swait.ge [sflag:s12], $0x2000  }
0xd8: {  	[sflag:s12] =	ssyncset.done $0x0  }
0xd9: {  	s28 =	rddreg [dreg:$0x7];
	[sflag:s12] =	ssyncadd.s32 $0xFFFFE000  }
0xda: {  	[hbm4b:s28+s1] =	stream.linear.scatter [tilespmem:s16], [sflag:$0x3], $0x2000, $0x38;
	[tilespmem:$0x10420] =	vst v63  }
0xdb: {  	_ =	swait.ge [sflag:s12], $0x2000  }
0xdc: {  	[sflag:s12] =	ssyncset.done $0x0  }
0xdd: {  	s30 =	rddreg [dreg:$0x8];
	[sflag:s12] =	ssyncadd.s32 $0xFFFFE000  }
0xde: {  	[hbm4b:s30+s1] =	stream.linear.scatter [tilespmem:s15], [sflag:$0x3], $0x2000, $0x38;
	[tilespmem:$0x10420] =	vst v63  }
0xdf: {  	_ =	swait.ge [sflag:s12], $0x2000  }
0xe0: {  	[sflag:s12] =	ssyncset.done $0x0  }
0xe1: {  	s31 =	rddreg [dreg:$0x9];
	[sflag:s12] =	ssyncadd.s32 $0xFFFFE000  }
0xe2: {  	[hbm4b:s31+s1] =	stream.linear.scatter [tilespmem:s14], [sflag:$0x3], $0x2000, $0x38;
	[tilespmem:$0x10420] =	vst v63  }
0xe3: {  	_ =	swait.ge [sflag:s12], $0x2000  }
0xe4: {  	[sflag:s12] =	ssyncset.done $0x0  }
0xe5: {  	[sflag:s12] =	ssyncadd.s32 $0xFFFFE000  }
0xe6: {  	[hbm4b:s6+s1] =	stream.linear.scatter [tilespmem:s13], [sflag:$0x3], $0x2000, $0x38;
	[tilespmem:$0x10420] =	vst v63  }
0xe7: {  	_ =	swait.ge [sflag:s12], $0x2000  }
0xe8: {  	[sflag:s12] =	ssyncset.done $0x0  }
0xe9: {  	[sflag:s12] =	ssyncadd.s32 $0xFFFFE000  }
0xea: {  	[hbm4b:s5+s1] =	stream.linear.scatter [tilespmem:s11], [sflag:$0x3], $0x2000, $0x38;
	[tilespmem:$0x10420] =	vst v63  }
0xeb: {  	_ =	swait.ge [sflag:s12], $0x2000  }
0xec: {  	[sflag:s12] =	ssyncset.done $0x0  }
0xed: {  	[sflag:s12] =	ssyncadd.s32 $0xFFFFE000  }
0xee: {  	[hbm4b:s4+s1] =	stream.linear.scatter [tilespmem:s9], [sflag:$0x3], $0x2000, $0x38;
	[tilespmem:$0x10420] =	vst v63  }
0xef: {  	_ =	swait.ge [sflag:s12], $0x2000  }
0xf0: {  	[sflag:s12] =	ssyncset.done $0x0  }
0xf1: {  	[sflag:s12] =	ssyncadd.s32 $0xFFFFE000  }
0xf2: {  	[hbm4b:s2+s1] =	stream.linear.scatter [tilespmem:s10], [sflag:$0x3], $0x2000, $0x38;
	[tilespmem:$0x10420] =	vst v63  }
0xf3: {  	_ =	swait.ge [sflag:s3], $0x2000  }
0xf4: {  	[sflag:s3] =	ssyncset.done $0x0  }
0xf5: {  	[sflag:s3] =	ssyncadd.s32 $0xFFFFE000  }
0xf6: {  	_ =	swait.ge [sflag:s3], $0x2000  }
0xf7: {  	[sflag:s3] =	ssyncset.done $0x0  }
0xf8: {  	[sflag:s3] =	ssyncadd.s32 $0xFFFFE000  }
0xf9: {  	_ =	swait.ge [sflag:s3], $0x2000  }
0xfa: {  	[sflag:s3] =	ssyncset.done $0x0  }
0xfb: {  	[sflag:s3] =	ssyncadd.s32 $0xFFFFE000  }
0xfc: {  	_ =	swait.ge [sflag:s3], $0x2000  }
0xfd: {  	[sflag:s3] =	ssyncset.done $0x0  }
0xfe: {  	[sflag:s3] =	ssyncadd.s32 $0xFFFFE000  }
0xff: {  	_ =	swait.ge [sflag:s3], $0x2000  }
0x100: {  	[sflag:s3] =	ssyncset.done $0x0  }
0x101: {  	[sflag:s3] =	ssyncadd.s32 $0xFFFFE000  }
0x102: {  	_ =	swait.ge [sflag:s3], $0x2000  }
0x103: {  	[sflag:s3] =	ssyncset.done $0x0  }
0x104: {  	[sflag:s3] =	ssyncadd.s32 $0xFFFFE000  }
0x105: {  	_ =	swait.ge [sflag:s3], $0x2000  }
0x106: {  	[sflag:s3] =	ssyncset.done $0x0  }
0x107: {  	[sflag:s3] =	ssyncadd.s32 $0xFFFFE000  }
0x108: {  	_ =	swait.ge [sflag:s3], $0x2000  }
0x109: {  	[sflag:s3] =	ssyncset.done $0x0  }
0x10a: {  	[sflag:s3] =	ssyncadd.s32 $0xFFFFE000  }
0x10b: {  	_ =	sfence.sel $0x180000  }
0x10c: {  	[bflag:$0x0] =	sbarrier.arrive $0xFFFF  }
0x10d: {  	_ =	strace $0x90000047  }
0x10e: {  	s0 =	sadd.s32 @!p0 $0x100000, s29;
	[bflag:$0x2] =	sbarrier.arrive $0xFFFF  }
0x10f: {  	[sflag:s0] =	ssyncadd.tile.s32 @!p0 $0x1;
	_ =	shalt  }
.LBB2_1:
.Ltmp3:
0x110: {  	(pc) =	sbr.rel .LBB2_6-.Ltmp3, $2  }
0x111: {  	_ =	sdelay $0x2  }
0x112: {  	s30 =	simm.s32 $0x80  }
.LBB2_3:
.Ltmp4:
0x113: {  	(pc) =	sbr.rel .LBB2_6-.Ltmp4, $2  }
0x114: {  	_ =	sdelay $0x2  }
0x115: {  	s30 =	simm.s32 $0x80;
	s29 =	rddreg [dreg:$0x4]  }
.Lfunc_end2:
_tile_overlayer_lowered:
.L_overlay_start_2:
0x116: {  	(tag) =	ssettag $0x2  }
0x117: {  	s0 =	rddreg [dreg:$0x0];
	s2 =	stileid.u32  }
0x118: {  	s1 =	rddreg [dreg:$0x1];
	p0 =	sne.s32 s2, $0x0  }
0x119: {  	s3 =	rddreg [dreg:$0x2];
	[bflag:$0x3] =	sbarrier.arrive $0xFFFF;
	s2 =	simm.s32 @!p0 $0x1C04  }
0x11a: {  	[timem:s3], [sflag:s2] =	dma.local @!p0 [hbm:s0], s1  }
0x11b: {  	s0 =	simm.s32 @!p0 $0x4  }
0x11c: {  	_ =	swait.ge @!p0 [sflag:s0], s1  }
0x11d: {  	s1 =	ssub.s32 @!p0 $0x0, s1;
	[sflag:s0] =	ssyncset.done @!p0 $0x0  }
0x11e: {  	[sflag:s0] =	ssyncadd.s32 @!p0 s1  }
0x11f: {  	[bflag:$0x3] =	sbarrier.arrive $0xFFFF  }
0x120: {  	_ =	shalt  }

</sc_bundles>
